<compile_context>
chip_gen: v7x
topology: tpu7x:2x2x1
jax: 0.10.2.dev20260603
libtpu: 0.0.44.dev20260713+nightly
codegen_flags: <defaults>
</compile_context>

<pallas_src>
import functools

import jax
import jax.numpy as jnp
from jax import lax
from jax.experimental import pallas as pl
from jax.experimental.pallas import tpu as pltpu
from jax.experimental.pallas import tpu_sc as plsc

_CHUNK = 128
_W = 128


@functools.lru_cache(maxsize=None)
def _build_gather(B, D):
    info = plsc.get_sparse_core_info()
    NC, NS = info.num_cores, info.num_subcores
    NW = NC * NS
    b_per_w = B // NW
    assert B % (NW * _CHUNK) == 0 and D % 16 == 0
    cpw = b_per_w // _CHUNK

    mesh = plsc.VectorSubcoreMesh(core_axis_name="c", subcore_axis_name="s")

    @functools.partial(
        pl.kernel,
        mesh=mesh,
        out_type=jax.ShapeDtypeStruct((B, 2 * D), jnp.float32),
        scratch_types=[
            pltpu.VMEM((_CHUNK * cpw,), jnp.int32),
            pltpu.VMEM((_CHUNK * cpw,), jnp.int32),
            pltpu.VMEM((_CHUNK, _W), jnp.float32),
            pltpu.VMEM((_CHUNK, _W), jnp.float32),
            pltpu.VMEM((_CHUNK, _W), jnp.float32),
            pltpu.VMEM((_CHUNK, _W), jnp.float32),
            pltpu.VMEM((_CHUNK, 2 * D), jnp.float32),
            pltpu.VMEM((_CHUNK, 2 * D), jnp.float32),
            pltpu.SemaphoreType.DMA,
            pltpu.SemaphoreType.DMA,
        ],
    )
    def k(uids_hbm, bids_hbm, utab_hbm, btab_hbm, out_hbm,
          uidx_v, bidx_v, u_v0, u_v1, b_v0, b_v1, comb_v0, comb_v1,
          gsem, osem):
        u_ring, b_ring = (u_v0, u_v1), (b_v0, b_v1)
        comb_ring = (comb_v0, comb_v1)
        wid = lax.axis_index("s") * NC + lax.axis_index("c")
        base = wid * b_per_w
        pltpu.sync_copy(uids_hbm.at[pl.ds(base, b_per_w)], uidx_v)
        pltpu.sync_copy(bids_hbm.at[pl.ds(base, b_per_w)], bidx_v)

        def fire(j):
            s = j % 2
            rows = pl.ds(j * _CHUNK, _CHUNK)
            cu = pltpu.async_copy(utab_hbm.at[uidx_v.at[rows]], u_ring[s], gsem)
            cb = pltpu.async_copy(btab_hbm.at[bidx_v.at[rows]], b_ring[s], gsem)
            return cu, cb

        def interleave(s):
            u_v, b_v, comb_v = u_ring[s], b_ring[s], comb_ring[s]

            def body(i0, _):
                for u in range(4):
                    i = i0 * 4 + u
                    for c in range(D // 16):
                        comb_v[i, pl.ds(16 * c, 16)] = u_v[i, pl.ds(16 * c, 16)]
                        comb_v[i, pl.ds(D + 16 * c, 16)] = b_v[i, pl.ds(16 * c, 16)]
                return 0
            lax.fori_loop(0, _CHUNK // 4, body, 0)

        pending = fire(0)
        out_cp = None
        for j in range(cpw):
            s = j % 2
            for c in pending:
                c.wait()
            if j + 1 < cpw:
                pending = fire(j + 1)
            interleave(s)
            if out_cp is not None:
                out_cp.wait()
            out_cp = pltpu.async_copy(
                comb_ring[s], out_hbm.at[pl.ds(base + j * _CHUNK, _CHUNK)],
                osem)
        out_cp.wait()

    return k


def kernel(user_ids, book_ids, user_table, book_table):
    B = user_ids.shape[0]
    V, D = user_table.shape
    uids = user_ids.astype(jnp.int32)
    bids = book_ids.astype(jnp.int32)
    utab = jnp.pad(user_table, ((0, 0), (0, _W - D)))
    btab = jnp.pad(book_table, ((0, 0), (0, _W - D)))
    k = _build_gather(B, D)
    return k(uids, bids, utab, btab)

# --- scband reference (transcript-rebuilt; emitter-appended) ---
"""Pipeline reference for scband-retrieval-model-11312943857713 (READ-ONLY COPY).

The authoritative reference and input builder live on the scoring server;
editing this copy changes nothing except your own understanding.
"""

import jax, jax.numpy as jnp
import numpy as np

B = 16384
VU = 100000  # unique user ids
VB = 100000  # unique book titles
D = 32       # embedding_dimension hardcoded in module


def setup_inputs(seed: int = 0) -> dict:
    key = jax.random.key(seed)
    k1, k2, k3, k4 = jax.random.split(key, 4)
    user_ids = jax.random.randint(k1, (B,), 0, VU)
    book_ids = jax.random.randint(k2, (B,), 0, VB)
    # StringLookup maps strings -> int ids in [0, vocab]; OOV bucket gives +1 rows.
    user_table = jax.random.normal(k3, (VU + 1, D), dtype=jnp.float32) * 0.05
    book_table = jax.random.normal(k4, (VB + 1, D), dtype=jnp.float32) * 0.05
    return {"user_ids": user_ids, "book_ids": book_ids,
            "user_table": user_table, "book_table": book_table}


def reference(user_ids, book_ids, user_table, book_table):
    # user_model: StringLookup (modeled as integer ids) -> Embedding gather
    user_emb = jnp.take(user_table, user_ids, axis=0)
    # book_model: StringLookup -> Embedding gather
    book_emb = jnp.take(book_table, book_ids, axis=0)
    # Two-tower forward output: concatenated tower embeddings [B, 2*D]
    return jnp.concatenate([user_emb, book_emb], axis=-1)

if __name__ == "__main__":
    import jax
    _d = setup_inputs()
    print(jax.jit(kernel)(*tuple(_d.values())))

</pallas_src>

<mosaic_0001>
#map = affine_map<(d0, d1) -> (0)>
#map1 = affine_map<(d0, d1) -> (0, 0)>
module attributes {stable_mosaic.version = 14 : i64} {
  func.func @k(%arg0: i32, %arg1: i32, %arg2: memref<16384xi32, #tpu.memory_space<hbm>>, %arg3: memref<16384xi32, #tpu.memory_space<hbm>>, %arg4: memref<100001x128xf32, #tpu.memory_space<hbm>>, %arg5: memref<100001x128xf32, #tpu.memory_space<hbm>>, %arg6: memref<16384x64xf32, #tpu.memory_space<hbm>>, %arg7: memref<512xi32, #tpu.memory_space<vmem>>, %arg8: memref<512xi32, #tpu.memory_space<vmem>>, %arg9: memref<128x128xf32, #tpu.memory_space<vmem>>, %arg10: memref<128x128xf32, #tpu.memory_space<vmem>>, %arg11: memref<128x128xf32, #tpu.memory_space<vmem>>, %arg12: memref<128x128xf32, #tpu.memory_space<vmem>>, %arg13: memref<128x64xf32, #tpu.memory_space<vmem>>, %arg14: memref<128x64xf32, #tpu.memory_space<vmem>>, %arg15: memref<!tpu.dma_semaphore, #tpu.memory_space<semaphore_mem>>, %arg16: memref<!tpu.dma_semaphore, #tpu.memory_space<semaphore_mem>>) attributes {dimension_semantics = [#tpu.dimension_semantics<core_parallel>, #tpu.dimension_semantics<subcore_parallel>], iteration_bounds = array<i64: 2, 16>, scalar_prefetch = 0 : i64, scratch_operands = 10 : i64, tpu.core_type = #tpu.core_type<sc_vector_subcore>, window_params = [{transform_indices = #map}, {transform_indices = #map}, {transform_indices = #map1}, {transform_indices = #map1}, {transform_indices = #map1}]} {
    %mul3A = arith.constant 2 : i32
    %mul3A_0 = arith.muli %arg1, %mul3A : i32
    %add3A = arith.addi %mul3A_0, %arg0 : i32
    %mul3A_1 = arith.constant 512 : i32
    %mul3A_2 = arith.muli %add3A, %mul3A_1 : i32
    "tpu.region"() ({
      %run_scoped3A = tpu.sem_alloc : memref<!tpu.dma_semaphore, #tpu.memory_space<semaphore_mem>>
      %dma_start3A_148 = tpu.memref_slice %arg2[%mul3A_2] : memref<16384xi32, #tpu.memory_space<hbm>> -> memref<512xi32, #tpu.memory_space<hbm>>
      %dma_start3A_149 = tpu.memref_slice %arg2[%mul3A_2] : memref<16384xi32, #tpu.memory_space<hbm>> -> memref<512xi32, #tpu.memory_space<hbm>>
      tpu.enqueue_dma source(%dma_start3A_149 : memref<512xi32, #tpu.memory_space<hbm>>) target(%arg7 : memref<512xi32, #tpu.memory_space<vmem>>) target_semaphore(%run_scoped3A : memref<!tpu.dma_semaphore, #tpu.memory_space<semaphore_mem>>)
      %dma_wait3A_150 = tpu.memref_slice %arg2[%mul3A_2] : memref<16384xi32, #tpu.memory_space<hbm>> -> memref<512xi32, #tpu.memory_space<hbm>>
      %dma_wait3A_151 = tpu.memref_slice %arg2[%mul3A_2] : memref<16384xi32, #tpu.memory_space<hbm>> -> memref<512xi32, #tpu.memory_space<hbm>>
      tpu.wait_dma2 semaphore(%run_scoped3A : memref<!tpu.dma_semaphore, #tpu.memory_space<semaphore_mem>>) src(%dma_wait3A_151 : memref<512xi32, #tpu.memory_space<hbm>>) dst(%arg7 : memref<512xi32, #tpu.memory_space<vmem>>)
      tpu.yield
    }) : () -> ()
    "tpu.region"() ({
      %run_scoped3A = tpu.sem_alloc : memref<!tpu.dma_semaphore, #tpu.memory_space<semaphore_mem>>
      %dma_start3A_148 = tpu.memref_slice %arg3[%mul3A_2] : memref<16384xi32, #tpu.memory_space<hbm>> -> memref<512xi32, #tpu.memory_space<hbm>>
      %dma_start3A_149 = tpu.memref_slice %arg3[%mul3A_2] : memref<16384xi32, #tpu.memory_space<hbm>> -> memref<512xi32, #tpu.memory_space<hbm>>
      tpu.enqueue_dma source(%dma_start3A_149 : memref<512xi32, #tpu.memory_space<hbm>>) target(%arg8 : memref<512xi32, #tpu.memory_space<vmem>>) target_semaphore(%run_scoped3A : memref<!tpu.dma_semaphore, #tpu.memory_space<semaphore_mem>>)
      %dma_wait3A_150 = tpu.memref_slice %arg3[%mul3A_2] : memref<16384xi32, #tpu.memory_space<hbm>> -> memref<512xi32, #tpu.memory_space<hbm>>
      %dma_wait3A_151 = tpu.memref_slice %arg3[%mul3A_2] : memref<16384xi32, #tpu.memory_space<hbm>> -> memref<512xi32, #tpu.memory_space<hbm>>
      tpu.wait_dma2 semaphore(%run_scoped3A : memref<!tpu.dma_semaphore, #tpu.memory_space<semaphore_mem>>) src(%dma_wait3A_151 : memref<512xi32, #tpu.memory_space<hbm>>) dst(%arg8 : memref<512xi32, #tpu.memory_space<vmem>>)
      tpu.yield
    }) : () -> ()
    %dma_start3A = arith.constant 0 : i32
    %dma_start3A_3 = tpu.memref_slice %arg7[%dma_start3A] : memref<512xi32, #tpu.memory_space<vmem>> -> memref<128xi32, #tpu.memory_space<vmem>>
    %dma_start3A_4 = arith.constant 0 : i32
    %dma_start3A_5 = arith.constant 0 : i32
    %dma_start3A_6 = tpu.memref_slice %arg4[%dma_start3A_4, %dma_start3A_5] : memref<100001x128xf32, #tpu.memory_space<hbm>> -> memref<100001x128xf32, #tpu.memory_space<hbm>>
    tpu.enqueue_indirect_dma source(%dma_start3A_6 : memref<100001x128xf32, #tpu.memory_space<hbm>>) target(%arg9 : memref<128x128xf32, #tpu.memory_space<vmem>>) offsets(%dma_start3A_3 : memref<128xi32, #tpu.memory_space<vmem>>) semaphore(%arg15 : memref<!tpu.dma_semaphore, #tpu.memory_space<semaphore_mem>>)
    %dma_start3A_7 = arith.constant 0 : i32
    %dma_start3A_8 = tpu.memref_slice %arg8[%dma_start3A_7] : memref<512xi32, #tpu.memory_space<vmem>> -> memref<128xi32, #tpu.memory_space<vmem>>
    %dma_start3A_9 = arith.constant 0 : i32
    %dma_start3A_10 = arith.constant 0 : i32
    %dma_start3A_11 = tpu.memref_slice %arg5[%dma_start3A_9, %dma_start3A_10] : memref<100001x128xf32, #tpu.memory_space<hbm>> -> memref<100001x128xf32, #tpu.memory_space<hbm>>
    tpu.enqueue_indirect_dma source(%dma_start3A_11 : memref<100001x128xf32, #tpu.memory_space<hbm>>) target(%arg11 : memref<128x128xf32, #tpu.memory_space<vmem>>) offsets(%dma_start3A_8 : memref<128xi32, #tpu.memory_space<vmem>>) semaphore(%arg15 : memref<!tpu.dma_semaphore, #tpu.memory_space<semaphore_mem>>)
    %dma_wait3A = arith.constant 0 : i32
    %dma_wait3A_12 = tpu.memref_slice %arg7[%dma_wait3A] : memref<512xi32, #tpu.memory_space<vmem>> -> memref<128xi32, #tpu.memory_space<vmem>>
    %dma_wait3A_13 = arith.constant 0 : i32
    %dma_wait3A_14 = arith.constant 0 : i32
    %dma_wait3A_15 = tpu.memref_slice %arg4[%dma_wait3A_13, %dma_wait3A_14] : memref<100001x128xf32, #tpu.memory_space<hbm>> -> memref<100001x128xf32, #tpu.memory_space<hbm>>
    tpu.wait_indirect_dma semaphore(%arg15 : memref<!tpu.dma_semaphore, #tpu.memory_space<semaphore_mem>>) src(%dma_wait3A_15 : memref<100001x128xf32, #tpu.memory_space<hbm>>) dst(%arg9 : memref<128x128xf32, #tpu.memory_space<vmem>>)
    %dma_wait3A_16 = arith.constant 0 : i32
    %dma_wait3A_17 = tpu.memref_slice %arg8[%dma_wait3A_16] : memref<512xi32, #tpu.memory_space<vmem>> -> memref<128xi32, #tpu.memory_space<vmem>>
    %dma_wait3A_18 = arith.constant 0 : i32
    %dma_wait3A_19 = arith.constant 0 : i32
    %dma_wait3A_20 = tpu.memref_slice %arg5[%dma_wait3A_18, %dma_wait3A_19] : memref<100001x128xf32, #tpu.memory_space<hbm>> -> memref<100001x128xf32, #tpu.memory_space<hbm>>
    tpu.wait_indirect_dma semaphore(%arg15 : memref<!tpu.dma_semaphore, #tpu.memory_space<semaphore_mem>>) src(%dma_wait3A_20 : memref<100001x128xf32, #tpu.memory_space<hbm>>) dst(%arg11 : memref<128x128xf32, #tpu.memory_space<vmem>>)
    %dma_start3A_21 = arith.constant 128 : i32
    %dma_start3A_22 = tpu.memref_slice %arg7[%dma_start3A_21] : memref<512xi32, #tpu.memory_space<vmem>> -> memref<128xi32, #tpu.memory_space<vmem>>
    %dma_start3A_23 = arith.constant 0 : i32
    %dma_start3A_24 = arith.constant 0 : i32
    %dma_start3A_25 = tpu.memref_slice %arg4[%dma_start3A_23, %dma_start3A_24] : memref<100001x128xf32, #tpu.memory_space<hbm>> -> memref<100001x128xf32, #tpu.memory_space<hbm>>
    tpu.enqueue_indirect_dma source(%dma_start3A_25 : memref<100001x128xf32, #tpu.memory_space<hbm>>) target(%arg10 : memref<128x128xf32, #tpu.memory_space<vmem>>) offsets(%dma_start3A_22 : memref<128xi32, #tpu.memory_space<vmem>>) semaphore(%arg15 : memref<!tpu.dma_semaphore, #tpu.memory_space<semaphore_mem>>)
    %dma_start3A_26 = arith.constant 128 : i32
    %dma_start3A_27 = tpu.memref_slice %arg8[%dma_start3A_26] : memref<512xi32, #tpu.memory_space<vmem>> -> memref<128xi32, #tpu.memory_space<vmem>>
    %dma_start3A_28 = arith.constant 0 : i32
    %dma_start3A_29 = arith.constant 0 : i32
    %dma_start3A_30 = tpu.memref_slice %arg5[%dma_start3A_28, %dma_start3A_29] : memref<100001x128xf32, #tpu.memory_space<hbm>> -> memref<100001x128xf32, #tpu.memory_space<hbm>>
    tpu.enqueue_indirect_dma source(%dma_start3A_30 : memref<100001x128xf32, #tpu.memory_space<hbm>>) target(%arg12 : memref<128x128xf32, #tpu.memory_space<vmem>>) offsets(%dma_start3A_27 : memref<128xi32, #tpu.memory_space<vmem>>) semaphore(%arg15 : memref<!tpu.dma_semaphore, #tpu.memory_space<semaphore_mem>>)
    %scan3A = arith.constant 0 : i32
    %scan3A_31 = arith.constant 0 : i32
    %scan3A_32 = arith.constant 32 : i32
    %scan3A_33 = arith.addi %scan3A_31, %scan3A_32 : i32
    %scan3A_34 = arith.constant 1 : i32
    %scan3A_35 = scf.for %scan3A_148 = %scan3A_31 to %scan3A_33 step %scan3A_34 iter_args(%scan3A_149 = %scan3A) -> (i32)  : i32 {
      %mul3A_150 = arith.constant 4 : i32
      %mul3A_151 = arith.muli %scan3A_148, %mul3A_150 : i32
      %add3A_152 = arith.constant 0 : i32
      %add3A_153 = arith.addi %mul3A_151, %add3A_152 : i32
      %get3A = arith.index_cast %add3A_153 : i32 to index
      %get3A_154 = arith.constant 0 : index
      %get3A_155 = tpu.vector_load %arg9[%get3A, %get3A_154] {strides = array<i32>} : memref<128x128xf32, #tpu.memory_space<vmem>>, vector<1x16xf32>,
      %get3A_156 = vector.shape_cast %get3A_155 : vector<1x16xf32> to vector<16xf32>
      %swap3A = arith.index_cast %add3A_153 : i32 to index
      %swap3A_157 = arith.constant 0 : index
      %swap3A_158 = tpu.vector_load %arg13[%swap3A, %swap3A_157] {strides = array<i32>} : memref<128x64xf32, #tpu.memory_space<vmem>>, vector<1x16xf32>,
      %swap3A_159 = vector.shape_cast %swap3A_158 : vector<1x16xf32> to vector<16xf32>
      %swap3A_160 = vector.shape_cast %get3A_156 : vector<16xf32> to vector<1x16xf32>
      tpu.vector_store %arg13[%swap3A, %swap3A_157], %swap3A_160 {strides = array<i32>} : memref<128x64xf32, #tpu.memory_space<vmem>>, vector<1x16xf32>,
      %get3A_161 = arith.index_cast %add3A_153 : i32 to index
      %get3A_162 = arith.constant 0 : index
      %get3A_163 = tpu.vector_load %arg11[%get3A_161, %get3A_162] {strides = array<i32>} : memref<128x128xf32, #tpu.memory_space<vmem>>, vector<1x16xf32>,
      %get3A_164 = vector.shape_cast %get3A_163 : vector<1x16xf32> to vector<16xf32>
      %swap3A_165 = arith.index_cast %add3A_153 : i32 to index
      %swap3A_166 = arith.constant 32 : index
      %swap3A_167 = tpu.vector_load %arg13[%swap3A_165, %swap3A_166] {strides = array<i32>} : memref<128x64xf32, #tpu.memory_space<vmem>>, vector<1x16xf32>,
      %swap3A_168 = vector.shape_cast %swap3A_167 : vector<1x16xf32> to vector<16xf32>
      %swap3A_169 = vector.shape_cast %get3A_164 : vector<16xf32> to vector<1x16xf32>
      tpu.vector_store %arg13[%swap3A_165, %swap3A_166], %swap3A_169 {strides = array<i32>} : memref<128x64xf32, #tpu.memory_space<vmem>>, vector<1x16xf32>,
      %get3A_170 = arith.index_cast %add3A_153 : i32 to index
      %get3A_171 = arith.constant 16 : index
      %get3A_172 = tpu.vector_load %arg9[%get3A_170, %get3A_171] {strides = array<i32>} : memref<128x128xf32, #tpu.memory_space<vmem>>, vector<1x16xf32>,
      %get3A_173 = vector.shape_cast %get3A_172 : vector<1x16xf32> to vector<16xf32>
      %swap3A_174 = arith.index_cast %add3A_153 : i32 to index
      %swap3A_175 = arith.constant 16 : index
      %swap3A_176 = tpu.vector_load %arg13[%swap3A_174, %swap3A_175] {strides = array<i32>} : memref<128x64xf32, #tpu.memory_space<vmem>>, vector<1x16xf32>,
      %swap3A_177 = vector.shape_cast %swap3A_176 : vector<1x16xf32> to vector<16xf32>
      %swap3A_178 = vector.shape_cast %get3A_173 : vector<16xf32> to vector<1x16xf32>
      tpu.vector_store %arg13[%swap3A_174, %swap3A_175], %swap3A_178 {strides = array<i32>} : memref<128x64xf32, #tpu.memory_space<vmem>>, vector<1x16xf32>,
      %get3A_179 = arith.index_cast %add3A_153 : i32 to index
      %get3A_180 = arith.constant 16 : index
      %get3A_181 = tpu.vector_load %arg11[%get3A_179, %get3A_180] {strides = array<i32>} : memref<128x128xf32, #tpu.memory_space<vmem>>, vector<1x16xf32>,
      %get3A_182 = vector.shape_cast %get3A_181 : vector<1x16xf32> to vector<16xf32>
      %swap3A_183 = arith.index_cast %add3A_153 : i32 to index
      %swap3A_184 = arith.constant 48 : index
      %swap3A_185 = tpu.vector_load %arg13[%swap3A_183, %swap3A_184] {strides = array<i32>} : memref<128x64xf32, #tpu.memory_space<vmem>>, vector<1x16xf32>,
      %swap3A_186 = vector.shape_cast %swap3A_185 : vector<1x16xf32> to vector<16xf32>
      %swap3A_187 = vector.shape_cast %get3A_182 : vector<16xf32> to vector<1x16xf32>
      tpu.vector_store %arg13[%swap3A_183, %swap3A_184], %swap3A_187 {strides = array<i32>} : memref<128x64xf32, #tpu.memory_space<vmem>>, vector<1x16xf32>,
      %mul3A_188 = arith.constant 4 : i32
      %mul3A_189 = arith.muli %scan3A_148, %mul3A_188 : i32
      %add3A_190 = arith.constant 1 : i32
      %add3A_191 = arith.addi %mul3A_189, %add3A_190 : i32
      %get3A_192 = arith.index_cast %add3A_191 : i32 to index
      %get3A_193 = arith.constant 0 : index
      %get3A_194 = tpu.vector_load %arg9[%get3A_192, %get3A_193] {strides = array<i32>} : memref<128x128xf32, #tpu.memory_space<vmem>>, vector<1x16xf32>,
      %get3A_195 = vector.shape_cast %get3A_194 : vector<1x16xf32> to vector<16xf32>
      %swap3A_196 = arith.index_cast %add3A_191 : i32 to index
      %swap3A_197 = arith.constant 0 : index
      %swap3A_198 = tpu.vector_load %arg13[%swap3A_196, %swap3A_197] {strides = array<i32>} : memref<128x64xf32, #tpu.memory_space<vmem>>, vector<1x16xf32>,
      %swap3A_199 = vector.shape_cast %swap3A_198 : vector<1x16xf32> to vector<16xf32>
      %swap3A_200 = vector.shape_cast %get3A_195 : vector<16xf32> to vector<1x16xf32>
      tpu.vector_store %arg13[%swap3A_196, %swap3A_197], %swap3A_200 {strides = array<i32>} : memref<128x64xf32, #tpu.memory_space<vmem>>, vector<1x16xf32>,
      %get3A_201 = arith.index_cast %add3A_191 : i32 to index
      %get3A_202 = arith.constant 0 : index
      %get3A_203 = tpu.vector_load %arg11[%get3A_201, %get3A_202] {strides = array<i32>} : memref<128x128xf32, #tpu.memory_space<vmem>>, vector<1x16xf32>,
      %get3A_204 = vector.shape_cast %get3A_203 : vector<1x16xf32> to vector<16xf32>
      %swap3A_205 = arith.index_cast %add3A_191 : i32 to index
      %swap3A_206 = arith.constant 32 : index
      %swap3A_207 = tpu.vector_load %arg13[%swap3A_205, %swap3A_206] {strides = array<i32>} : memref<128x64xf32, #tpu.memory_space<vmem>>, vector<1x16xf32>,
      %swap3A_208 = vector.shape_cast %swap3A_207 : vector<1x16xf32> to vector<16xf32>
      %swap3A_209 = vector.shape_cast %get3A_204 : vector<16xf32> to vector<1x16xf32>
      tpu.vector_store %arg13[%swap3A_205, %swap3A_206], %swap3A_209 {strides = array<i32>} : memref<128x64xf32, #tpu.memory_space<vmem>>, vector<1x16xf32>,
      %get3A_210 = arith.index_cast %add3A_191 : i32 to index
      %get3A_211 = arith.constant 16 : index
      %get3A_212 = tpu.vector_load %arg9[%get3A_210, %get3A_211] {strides = array<i32>} : memref<128x128xf32, #tpu.memory_space<vmem>>, vector<1x16xf32>,
      %get3A_213 = vector.shape_cast %get3A_212 : vector<1x16xf32> to vector<16xf32>
      %swap3A_214 = arith.index_cast %add3A_191 : i32 to index
      %swap3A_215 = arith.constant 16 : index
      %swap3A_216 = tpu.vector_load %arg13[%swap3A_214, %swap3A_215] {strides = array<i32>} : memref<128x64xf32, #tpu.memory_space<vmem>>, vector<1x16xf32>,
      %swap3A_217 = vector.shape_cast %swap3A_216 : vector<1x16xf32> to vector<16xf32>
      %swap3A_218 = vector.shape_cast %get3A_213 : vector<16xf32> to vector<1x16xf32>
      tpu.vector_store %arg13[%swap3A_214, %swap3A_215], %swap3A_218 {strides = array<i32>} : memref<128x64xf32, #tpu.memory_space<vmem>>, vector<1x16xf32>,
      %get3A_219 = arith.index_cast %add3A_191 : i32 to index
      %get3A_220 = arith.constant 16 : index
      %get3A_221 = tpu.vector_load %arg11[%get3A_219, %get3A_220] {strides = array<i32>} : memref<128x128xf32, #tpu.memory_space<vmem>>, vector<1x16xf32>,
      %get3A_222 = vector.shape_cast %get3A_221 : vector<1x16xf32> to vector<16xf32>
      %swap3A_223 = arith.index_cast %add3A_191 : i32 to index
      %swap3A_224 = arith.constant 48 : index
      %swap3A_225 = tpu.vector_load %arg13[%swap3A_223, %swap3A_224] {strides = array<i32>} : memref<128x64xf32, #tpu.memory_space<vmem>>, vector<1x16xf32>,
      %swap3A_226 = vector.shape_cast %swap3A_225 : vector<1x16xf32> to vector<16xf32>
      %swap3A_227 = vector.shape_cast %get3A_222 : vector<16xf32> to vector<1x16xf32>
      tpu.vector_store %arg13[%swap3A_223, %swap3A_224], %swap3A_227 {strides = array<i32>} : memref<128x64xf32, #tpu.memory_space<vmem>>, vector<1x16xf32>,
      %mul3A_228 = arith.constant 4 : i32
      %mul3A_229 = arith.muli %scan3A_148, %mul3A_228 : i32
      %add3A_230 = arith.constant 2 : i32
      %add3A_231 = arith.addi %mul3A_229, %add3A_230 : i32
      %get3A_232 = arith.index_cast %add3A_231 : i32 to index
      %get3A_233 = arith.constant 0 : index
      %get3A_234 = tpu.vector_load %arg9[%get3A_232, %get3A_233] {strides = array<i32>} : memref<128x128xf32, #tpu.memory_space<vmem>>, vector<1x16xf32>,
      %get3A_235 = vector.shape_cast %get3A_234 : vector<1x16xf32> to vector<16xf32>
      %swap3A_236 = arith.index_cast %add3A_231 : i32 to index
      %swap3A_237 = arith.constant 0 : index
      %swap3A_238 = tpu.vector_load %arg13[%swap3A_236, %swap3A_237] {strides = array<i32>} : memref<128x64xf32, #tpu.memory_space<vmem>>, vector<1x16xf32>,
      %swap3A_239 = vector.shape_cast %swap3A_238 : vector<1x16xf32> to vector<16xf32>
      %swap3A_240 = vector.shape_cast %get3A_235 : vector<16xf32> to vector<1x16xf32>
      tpu.vector_store %arg13[%swap3A_236, %swap3A_237], %swap3A_240 {strides = array<i32>} : memref<128x64xf32, #tpu.memory_space<vmem>>, vector<1x16xf32>,
      %get3A_241 = arith.index_cast %add3A_231 : i32 to index
      %get3A_242 = arith.constant 0 : index
      %get3A_243 = tpu.vector_load %arg11[%get3A_241, %get3A_242] {strides = array<i32>} : memref<128x128xf32, #tpu.memory_space<vmem>>, vector<1x16xf32>,
      %get3A_244 = vector.shape_cast %get3A_243 : vector<1x16xf32> to vector<16xf32>
      %swap3A_245 = arith.index_cast %add3A_231 : i32 to index
      %swap3A_246 = arith.constant 32 : index
      %swap3A_247 = tpu.vector_load %arg13[%swap3A_245, %swap3A_246] {strides = array<i32>} : memref<128x64xf32, #tpu.memory_space<vmem>>, vector<1x16xf32>,
      %swap3A_248 = vector.shape_cast %swap3A_247 : vector<1x16xf32> to vector<16xf32>
      %swap3A_249 = vector.shape_cast %get3A_244 : vector<16xf32> to vector<1x16xf32>
      tpu.vector_store %arg13[%swap3A_245, %swap3A_246], %swap3A_249 {strides = array<i32>} : memref<128x64xf32, #tpu.memory_space<vmem>>, vector<1x16xf32>,
      %get3A_250 = arith.index_cast %add3A_231 : i32 to index
      %get3A_251 = arith.constant 16 : index
      %get3A_252 = tpu.vector_load %arg9[%get3A_250, %get3A_251] {strides = array<i32>} : memref<128x128xf32, #tpu.memory_space<vmem>>, vector<1x16xf32>,
      %get3A_253 = vector.shape_cast %get3A_252 : vector<1x16xf32> to vector<16xf32>
      %swap3A_254 = arith.index_cast %add3A_231 : i32 to index
      %swap3A_255 = arith.constant 16 : index
      %swap3A_256 = tpu.vector_load %arg13[%swap3A_254, %swap3A_255] {strides = array<i32>} : memref<128x64xf32, #tpu.memory_space<vmem>>, vector<1x16xf32>,
      %swap3A_257 = vector.shape_cast %swap3A_256 : vector<1x16xf32> to vector<16xf32>
      %swap3A_258 = vector.shape_cast %get3A_253 : vector<16xf32> to vector<1x16xf32>
      tpu.vector_store %arg13[%swap3A_254, %swap3A_255], %swap3A_258 {strides = array<i32>} : memref<128x64xf32, #tpu.memory_space<vmem>>, vector<1x16xf32>,
      %get3A_259 = arith.index_cast %add3A_231 : i32 to index
      %get3A_260 = arith.constant 16 : index
      %get3A_261 = tpu.vector_load %arg11[%get3A_259, %get3A_260] {strides = array<i32>} : memref<128x128xf32, #tpu.memory_space<vmem>>, vector<1x16xf32>,
      %get3A_262 = vector.shape_cast %get3A_261 : vector<1x16xf32> to vector<16xf32>
      %swap3A_263 = arith.index_cast %add3A_231 : i32 to index
      %swap3A_264 = arith.constant 48 : index
      %swap3A_265 = tpu.vector_load %arg13[%swap3A_263, %swap3A_264] {strides = array<i32>} : memref<128x64xf32, #tpu.memory_space<vmem>>, vector<1x16xf32>,
      %swap3A_266 = vector.shape_cast %swap3A_265 : vector<1x16xf32> to vector<16xf32>
      %swap3A_267 = vector.shape_cast %get3A_262 : vector<16xf32> to vector<1x16xf32>
      tpu.vector_store %arg13[%swap3A_263, %swap3A_264], %swap3A_267 {strides = array<i32>} : memref<128x64xf32, #tpu.memory_space<vmem>>, vector<1x16xf32>,
      %mul3A_268 = arith.constant 4 : i32
      %mul3A_269 = arith.muli %scan3A_148, %mul3A_268 : i32
      %add3A_270 = arith.constant 3 : i32
      %add3A_271 = arith.addi %mul3A_269, %add3A_270 : i32
      %get3A_272 = arith.index_cast %add3A_271 : i32 to index
      %get3A_273 = arith.constant 0 : index
      %get3A_274 = tpu.vector_load %arg9[%get3A_272, %get3A_273] {strides = array<i32>} : memref<128x128xf32, #tpu.memory_space<vmem>>, vector<1x16xf32>,
      %get3A_275 = vector.shape_cast %get3A_274 : vector<1x16xf32> to vector<16xf32>
      %swap3A_276 = arith.index_cast %add3A_271 : i32 to index
      %swap3A_277 = arith.constant 0 : index
      %swap3A_278 = tpu.vector_load %arg13[%swap3A_276, %swap3A_277] {strides = array<i32>} : memref<128x64xf32, #tpu.memory_space<vmem>>, vector<1x16xf32>,
      %swap3A_279 = vector.shape_cast %swap3A_278 : vector<1x16xf32> to vector<16xf32>
      %swap3A_280 = vector.shape_cast %get3A_275 : vector<16xf32> to vector<1x16xf32>
      tpu.vector_store %arg13[%swap3A_276, %swap3A_277], %swap3A_280 {strides = array<i32>} : memref<128x64xf32, #tpu.memory_space<vmem>>, vector<1x16xf32>,
      %get3A_281 = arith.index_cast %add3A_271 : i32 to index
      %get3A_282 = arith.constant 0 : index
      %get3A_283 = tpu.vector_load %arg11[%get3A_281, %get3A_282] {strides = array<i32>} : memref<128x128xf32, #tpu.memory_space<vmem>>, vector<1x16xf32>,
      %get3A_284 = vector.shape_cast %get3A_283 : vector<1x16xf32> to vector<16xf32>
      %swap3A_285 = arith.index_cast %add3A_271 : i32 to index
      %swap3A_286 = arith.constant 32 : index
      %swap3A_287 = tpu.vector_load %arg13[%swap3A_285, %swap3A_286] {strides = array<i32>} : memref<128x64xf32, #tpu.memory_space<vmem>>, vector<1x16xf32>,
      %swap3A_288 = vector.shape_cast %swap3A_287 : vector<1x16xf32> to vector<16xf32>
      %swap3A_289 = vector.shape_cast %get3A_284 : vector<16xf32> to vector<1x16xf32>
      tpu.vector_store %arg13[%swap3A_285, %swap3A_286], %swap3A_289 {strides = array<i32>} : memref<128x64xf32, #tpu.memory_space<vmem>>, vector<1x16xf32>,
      %get3A_290 = arith.index_cast %add3A_271 : i32 to index
      %get3A_291 = arith.constant 16 : index
      %get3A_292 = tpu.vector_load %arg9[%get3A_290, %get3A_291] {strides = array<i32>} : memref<128x128xf32, #tpu.memory_space<vmem>>, vector<1x16xf32>,
      %get3A_293 = vector.shape_cast %get3A_292 : vector<1x16xf32> to vector<16xf32>
      %swap3A_294 = arith.index_cast %add3A_271 : i32 to index
      %swap3A_295 = arith.constant 16 : index
      %swap3A_296 = tpu.vector_load %arg13[%swap3A_294, %swap3A_295] {strides = array<i32>} : memref<128x64xf32, #tpu.memory_space<vmem>>, vector<1x16xf32>,
      %swap3A_297 = vector.shape_cast %swap3A_296 : vector<1x16xf32> to vector<16xf32>
      %swap3A_298 = vector.shape_cast %get3A_293 : vector<16xf32> to vector<1x16xf32>
      tpu.vector_store %arg13[%swap3A_294, %swap3A_295], %swap3A_298 {strides = array<i32>} : memref<128x64xf32, #tpu.memory_space<vmem>>, vector<1x16xf32>,
      %get3A_299 = arith.index_cast %add3A_271 : i32 to index
      %get3A_300 = arith.constant 16 : index
      %get3A_301 = tpu.vector_load %arg11[%get3A_299, %get3A_300] {strides = array<i32>} : memref<128x128xf32, #tpu.memory_space<vmem>>, vector<1x16xf32>,
      %get3A_302 = vector.shape_cast %get3A_301 : vector<1x16xf32> to vector<16xf32>
      %swap3A_303 = arith.index_cast %add3A_271 : i32 to index
      %swap3A_304 = arith.constant 48 : index
      %swap3A_305 = tpu.vector_load %arg13[%swap3A_303, %swap3A_304] {strides = array<i32>} : memref<128x64xf32, #tpu.memory_space<vmem>>, vector<1x16xf32>,
      %swap3A_306 = vector.shape_cast %swap3A_305 : vector<1x16xf32> to vector<16xf32>
      %swap3A_307 = vector.shape_cast %get3A_302 : vector<16xf32> to vector<1x16xf32>
      tpu.vector_store %arg13[%swap3A_303, %swap3A_304], %swap3A_307 {strides = array<i32>} : memref<128x64xf32, #tpu.memory_space<vmem>>, vector<1x16xf32>,
      %scan3A_308 = arith.constant 0 : i32
      scf.yield %scan3A_308 : i32
    }
    %scan3A_36 = arith.constant 32 : i32
    %add3A_37 = arith.constant 0 : i32
    %add3A_38 = arith.addi %mul3A_2, %add3A_37 : i32
    %dma_start3A_39 = arith.constant 0 : i32
    %dma_start3A_40 = tpu.memref_slice %arg6[%add3A_38, %dma_start3A_39] : memref<16384x64xf32, #tpu.memory_space<hbm>> -> memref<128x64xf32, #tpu.memory_space<hbm>>
    %dma_start3A_41 = arith.constant 0 : i32
    %dma_start3A_42 = tpu.memref_slice %arg6[%add3A_38, %dma_start3A_41] : memref<16384x64xf32, #tpu.memory_space<hbm>> -> memref<128x64xf32, #tpu.memory_space<hbm>>
    tpu.enqueue_dma source(%arg13 : memref<128x64xf32, #tpu.memory_space<vmem>>) target(%dma_start3A_42 : memref<128x64xf32, #tpu.memory_space<hbm>>) target_semaphore(%arg16 : memref<!tpu.dma_semaphore, #tpu.memory_space<semaphore_mem>>)
    %dma_wait3A_43 = arith.constant 128 : i32
    %dma_wait3A_44 = tpu.memref_slice %arg7[%dma_wait3A_43] : memref<512xi32, #tpu.memory_space<vmem>> -> memref<128xi32, #tpu.memory_space<vmem>>
    %dma_wait3A_45 = arith.constant 0 : i32
    %dma_wait3A_46 = arith.constant 0 : i32
    %dma_wait3A_47 = tpu.memref_slice %arg4[%dma_wait3A_45, %dma_wait3A_46] : memref<100001x128xf32, #tpu.memory_space<hbm>> -> memref<100001x128xf32, #tpu.memory_space<hbm>>
    tpu.wait_indirect_dma semaphore(%arg15 : memref<!tpu.dma_semaphore, #tpu.memory_space<semaphore_mem>>) src(%dma_wait3A_47 : memref<100001x128xf32, #tpu.memory_space<hbm>>) dst(%arg10 : memref<128x128xf32, #tpu.memory_space<vmem>>)
    %dma_wait3A_48 = arith.constant 128 : i32
    %dma_wait3A_49 = tpu.memref_slice %arg8[%dma_wait3A_48] : memref<512xi32, #tpu.memory_space<vmem>> -> memref<128xi32, #tpu.memory_space<vmem>>
    %dma_wait3A_50 = arith.constant 0 : i32
    %dma_wait3A_51 = arith.constant 0 : i32
    %dma_wait3A_52 = tpu.memref_slice %arg5[%dma_wait3A_50, %dma_wait3A_51] : memref<100001x128xf32, #tpu.memory_space<hbm>> -> memref<100001x128xf32, #tpu.memory_space<hbm>>
    tpu.wait_indirect_dma semaphore(%arg15 : memref<!tpu.dma_semaphore, #tpu.memory_space<semaphore_mem>>) src(%dma_wait3A_52 : memref<100001x128xf32, #tpu.memory_space<hbm>>) dst(%arg12 : memref<128x128xf32, #tpu.memory_space<vmem>>)
    %dma_start3A_53 = arith.constant 256 : i32
    %dma_start3A_54 = tpu.memref_slice %arg7[%dma_start3A_53] : memref<512xi32, #tpu.memory_space<vmem>> -> memref<128xi32, #tpu.memory_space<vmem>>
    %dma_start3A_55 = arith.constant 0 : i32
    %dma_start3A_56 = arith.constant 0 : i32
    %dma_start3A_57 = tpu.memref_slice %arg4[%dma_start3A_55, %dma_start3A_56] : memref<100001x128xf32, #tpu.memory_space<hbm>> -> memref<100001x128xf32, #tpu.memory_space<hbm>>
    tpu.enqueue_indirect_dma source(%dma_start3A_57 : memref<100001x128xf32, #tpu.memory_space<hbm>>) target(%arg9 : memref<128x128xf32, #tpu.memory_space<vmem>>) offsets(%dma_start3A_54 : memref<128xi32, #tpu.memory_space<vmem>>) semaphore(%arg15 : memref<!tpu.dma_semaphore, #tpu.memory_space<semaphore_mem>>)
    %dma_start3A_58 = arith.constant 256 : i32
    %dma_start3A_59 = tpu.memref_slice %arg8[%dma_start3A_58] : memref<512xi32, #tpu.memory_space<vmem>> -> memref<128xi32, #tpu.memory_space<vmem>>
    %dma_start3A_60 = arith.constant 0 : i32
    %dma_start3A_61 = arith.constant 0 : i32
    %dma_start3A_62 = tpu.memref_slice %arg5[%dma_start3A_60, %dma_start3A_61] : memref<100001x128xf32, #tpu.memory_space<hbm>> -> memref<100001x128xf32, #tpu.memory_space<hbm>>
    tpu.enqueue_indirect_dma source(%dma_start3A_62 : memref<100001x128xf32, #tpu.memory_space<hbm>>) target(%arg11 : memref<128x128xf32, #tpu.memory_space<vmem>>) offsets(%dma_start3A_59 : memref<128xi32, #tpu.memory_space<vmem>>) semaphore(%arg15 : memref<!tpu.dma_semaphore, #tpu.memory_space<semaphore_mem>>)
    %scan3A_63 = arith.constant 0 : i32
    %scan3A_64 = arith.constant 0 : i32
    %scan3A_65 = arith.constant 32 : i32
    %scan3A_66 = arith.addi %scan3A_64, %scan3A_65 : i32
    %scan3A_67 = arith.constant 1 : i32
    %scan3A_68 = scf.for %scan3A_148 = %scan3A_64 to %scan3A_66 step %scan3A_67 iter_args(%scan3A_149 = %scan3A_63) -> (i32)  : i32 {
      %mul3A_150 = arith.constant 4 : i32
      %mul3A_151 = arith.muli %scan3A_148, %mul3A_150 : i32
      %add3A_152 = arith.constant 0 : i32
      %add3A_153 = arith.addi %mul3A_151, %add3A_152 : i32
      %get3A = arith.index_cast %add3A_153 : i32 to index
      %get3A_154 = arith.constant 0 : index
      %get3A_155 = tpu.vector_load %arg10[%get3A, %get3A_154] {strides = array<i32>} : memref<128x128xf32, #tpu.memory_space<vmem>>, vector<1x16xf32>,
      %get3A_156 = vector.shape_cast %get3A_155 : vector<1x16xf32> to vector<16xf32>
      %swap3A = arith.index_cast %add3A_153 : i32 to index
      %swap3A_157 = arith.constant 0 : index
      %swap3A_158 = tpu.vector_load %arg14[%swap3A, %swap3A_157] {strides = array<i32>} : memref<128x64xf32, #tpu.memory_space<vmem>>, vector<1x16xf32>,
      %swap3A_159 = vector.shape_cast %swap3A_158 : vector<1x16xf32> to vector<16xf32>
      %swap3A_160 = vector.shape_cast %get3A_156 : vector<16xf32> to vector<1x16xf32>
      tpu.vector_store %arg14[%swap3A, %swap3A_157], %swap3A_160 {strides = array<i32>} : memref<128x64xf32, #tpu.memory_space<vmem>>, vector<1x16xf32>,
      %get3A_161 = arith.index_cast %add3A_153 : i32 to index
      %get3A_162 = arith.constant 0 : index
      %get3A_163 = tpu.vector_load %arg12[%get3A_161, %get3A_162] {strides = array<i32>} : memref<128x128xf32, #tpu.memory_space<vmem>>, vector<1x16xf32>,
      %get3A_164 = vector.shape_cast %get3A_163 : vector<1x16xf32> to vector<16xf32>
      %swap3A_165 = arith.index_cast %add3A_153 : i32 to index
      %swap3A_166 = arith.constant 32 : index
      %swap3A_167 = tpu.vector_load %arg14[%swap3A_165, %swap3A_166] {strides = array<i32>} : memref<128x64xf32, #tpu.memory_space<vmem>>, vector<1x16xf32>,
      %swap3A_168 = vector.shape_cast %swap3A_167 : vector<1x16xf32> to vector<16xf32>
      %swap3A_169 = vector.shape_cast %get3A_164 : vector<16xf32> to vector<1x16xf32>
      tpu.vector_store %arg14[%swap3A_165, %swap3A_166], %swap3A_169 {strides = array<i32>} : memref<128x64xf32, #tpu.memory_space<vmem>>, vector<1x16xf32>,
      %get3A_170 = arith.index_cast %add3A_153 : i32 to index
      %get3A_171 = arith.constant 16 : index
      %get3A_172 = tpu.vector_load %arg10[%get3A_170, %get3A_171] {strides = array<i32>} : memref<128x128xf32, #tpu.memory_space<vmem>>, vector<1x16xf32>,
      %get3A_173 = vector.shape_cast %get3A_172 : vector<1x16xf32> to vector<16xf32>
      %swap3A_174 = arith.index_cast %add3A_153 : i32 to index
      %swap3A_175 = arith.constant 16 : index
      %swap3A_176 = tpu.vector_load %arg14[%swap3A_174, %swap3A_175] {strides = array<i32>} : memref<128x64xf32, #tpu.memory_space<vmem>>, vector<1x16xf32>,
      %swap3A_177 = vector.shape_cast %swap3A_176 : vector<1x16xf32> to vector<16xf32>
      %swap3A_178 = vector.shape_cast %get3A_173 : vector<16xf32> to vector<1x16xf32>
      tpu.vector_store %arg14[%swap3A_174, %swap3A_175], %swap3A_178 {strides = array<i32>} : memref<128x64xf32, #tpu.memory_space<vmem>>, vector<1x16xf32>,
      %get3A_179 = arith.index_cast %add3A_153 : i32 to index
      %get3A_180 = arith.constant 16 : index
      %get3A_181 = tpu.vector_load %arg12[%get3A_179, %get3A_180] {strides = array<i32>} : memref<128x128xf32, #tpu.memory_space<vmem>>, vector<1x16xf32>,
      %get3A_182 = vector.shape_cast %get3A_181 : vector<1x16xf32> to vector<16xf32>
      %swap3A_183 = arith.index_cast %add3A_153 : i32 to index
      %swap3A_184 = arith.constant 48 : index
      %swap3A_185 = tpu.vector_load %arg14[%swap3A_183, %swap3A_184] {strides = array<i32>} : memref<128x64xf32, #tpu.memory_space<vmem>>, vector<1x16xf32>,
      %swap3A_186 = vector.shape_cast %swap3A_185 : vector<1x16xf32> to vector<16xf32>
      %swap3A_187 = vector.shape_cast %get3A_182 : vector<16xf32> to vector<1x16xf32>
      tpu.vector_store %arg14[%swap3A_183, %swap3A_184], %swap3A_187 {strides = array<i32>} : memref<128x64xf32, #tpu.memory_space<vmem>>, vector<1x16xf32>,
      %mul3A_188 = arith.constant 4 : i32
      %mul3A_189 = arith.muli %scan3A_148, %mul3A_188 : i32
      %add3A_190 = arith.constant 1 : i32
      %add3A_191 = arith.addi %mul3A_189, %add3A_190 : i32
      %get3A_192 = arith.index_cast %add3A_191 : i32 to index
      %get3A_193 = arith.constant 0 : index
      %get3A_194 = tpu.vector_load %arg10[%get3A_192, %get3A_193] {strides = array<i32>} : memref<128x128xf32, #tpu.memory_space<vmem>>, vector<1x16xf32>,
      %get3A_195 = vector.shape_cast %get3A_194 : vector<1x16xf32> to vector<16xf32>
      %swap3A_196 = arith.index_cast %add3A_191 : i32 to index
      %swap3A_197 = arith.constant 0 : index
      %swap3A_198 = tpu.vector_load %arg14[%swap3A_196, %swap3A_197] {strides = array<i32>} : memref<128x64xf32, #tpu.memory_space<vmem>>, vector<1x16xf32>,
      %swap3A_199 = vector.shape_cast %swap3A_198 : vector<1x16xf32> to vector<16xf32>
      %swap3A_200 = vector.shape_cast %get3A_195 : vector<16xf32> to vector<1x16xf32>
      tpu.vector_store %arg14[%swap3A_196, %swap3A_197], %swap3A_200 {strides = array<i32>} : memref<128x64xf32, #tpu.memory_space<vmem>>, vector<1x16xf32>,
      %get3A_201 = arith.index_cast %add3A_191 : i32 to index
      %get3A_202 = arith.constant 0 : index
      %get3A_203 = tpu.vector_load %arg12[%get3A_201, %get3A_202] {strides = array<i32>} : memref<128x128xf32, #tpu.memory_space<vmem>>, vector<1x16xf32>,
      %get3A_204 = vector.shape_cast %get3A_203 : vector<1x16xf32> to vector<16xf32>
      %swap3A_205 = arith.index_cast %add3A_191 : i32 to index
      %swap3A_206 = arith.constant 32 : index
      %swap3A_207 = tpu.vector_load %arg14[%swap3A_205, %swap3A_206] {strides = array<i32>} : memref<128x64xf32, #tpu.memory_space<vmem>>, vector<1x16xf32>,
      %swap3A_208 = vector.shape_cast %swap3A_207 : vector<1x16xf32> to vector<16xf32>
      %swap3A_209 = vector.shape_cast %get3A_204 : vector<16xf32> to vector<1x16xf32>
      tpu.vector_store %arg14[%swap3A_205, %swap3A_206], %swap3A_209 {strides = array<i32>} : memref<128x64xf32, #tpu.memory_space<vmem>>, vector<1x16xf32>,
      %get3A_210 = arith.index_cast %add3A_191 : i32 to index
      %get3A_211 = arith.constant 16 : index
      %get3A_212 = tpu.vector_load %arg10[%get3A_210, %get3A_211] {strides = array<i32>} : memref<128x128xf32, #tpu.memory_space<vmem>>, vector<1x16xf32>,
      %get3A_213 = vector.shape_cast %get3A_212 : vector<1x16xf32> to vector<16xf32>
      %swap3A_214 = arith.index_cast %add3A_191 : i32 to index
      %swap3A_215 = arith.constant 16 : index
      %swap3A_216 = tpu.vector_load %arg14[%swap3A_214, %swap3A_215] {strides = array<i32>} : memref<128x64xf32, #tpu.memory_space<vmem>>, vector<1x16xf32>,
      %swap3A_217 = vector.shape_cast %swap3A_216 : vector<1x16xf32> to vector<16xf32>
      %swap3A_218 = vector.shape_cast %get3A_213 : vector<16xf32> to vector<1x16xf32>
      tpu.vector_store %arg14[%swap3A_214, %swap3A_215], %swap3A_218 {strides = array<i32>} : memref<128x64xf32, #tpu.memory_space<vmem>>, vector<1x16xf32>,
      %get3A_219 = arith.index_cast %add3A_191 : i32 to index
      %get3A_220 = arith.constant 16 : index
      %get3A_221 = tpu.vector_load %arg12[%get3A_219, %get3A_220] {strides = array<i32>} : memref<128x128xf32, #tpu.memory_space<vmem>>, vector<1x16xf32>,
      %get3A_222 = vector.shape_cast %get3A_221 : vector<1x16xf32> to vector<16xf32>
      %swap3A_223 = arith.index_cast %add3A_191 : i32 to index
      %swap3A_224 = arith.constant 48 : index
      %swap3A_225 = tpu.vector_load %arg14[%swap3A_223, %swap3A_224] {strides = array<i32>} : memref<128x64xf32, #tpu.memory_space<vmem>>, vector<1x16xf32>,
      %swap3A_226 = vector.shape_cast %swap3A_225 : vector<1x16xf32> to vector<16xf32>
      %swap3A_227 = vector.shape_cast %get3A_222 : vector<16xf32> to vector<1x16xf32>
      tpu.vector_store %arg14[%swap3A_223, %swap3A_224], %swap3A_227 {strides = array<i32>} : memref<128x64xf32, #tpu.memory_space<vmem>>, vector<1x16xf32>,
      %mul3A_228 = arith.constant 4 : i32
      %mul3A_229 = arith.muli %scan3A_148, %mul3A_228 : i32
      %add3A_230 = arith.constant 2 : i32
      %add3A_231 = arith.addi %mul3A_229, %add3A_230 : i32
      %get3A_232 = arith.index_cast %add3A_231 : i32 to index
      %get3A_233 = arith.constant 0 : index
      %get3A_234 = tpu.vector_load %arg10[%get3A_232, %get3A_233] {strides = array<i32>} : memref<128x128xf32, #tpu.memory_space<vmem>>, vector<1x16xf32>,
      %get3A_235 = vector.shape_cast %get3A_234 : vector<1x16xf32> to vector<16xf32>
      %swap3A_236 = arith.index_cast %add3A_231 : i32 to index
      %swap3A_237 = arith.constant 0 : index
      %swap3A_238 = tpu.vector_load %arg14[%swap3A_236, %swap3A_237] {strides = array<i32>} : memref<128x64xf32, #tpu.memory_space<vmem>>, vector<1x16xf32>,
      %swap3A_239 = vector.shape_cast %swap3A_238 : vector<1x16xf32> to vector<16xf32>
      %swap3A_240 = vector.shape_cast %get3A_235 : vector<16xf32> to vector<1x16xf32>
      tpu.vector_store %arg14[%swap3A_236, %swap3A_237], %swap3A_240 {strides = array<i32>} : memref<128x64xf32, #tpu.memory_space<vmem>>, vector<1x16xf32>,
      %get3A_241 = arith.index_cast %add3A_231 : i32 to index
      %get3A_242 = arith.constant 0 : index
      %get3A_243 = tpu.vector_load %arg12[%get3A_241, %get3A_242] {strides = array<i32>} : memref<128x128xf32, #tpu.memory_space<vmem>>, vector<1x16xf32>,
      %get3A_244 = vector.shape_cast %get3A_243 : vector<1x16xf32> to vector<16xf32>
      %swap3A_245 = arith.index_cast %add3A_231 : i32 to index
      %swap3A_246 = arith.constant 32 : index
      %swap3A_247 = tpu.vector_load %arg14[%swap3A_245, %swap3A_246] {strides = array<i32>} : memref<128x64xf32, #tpu.memory_space<vmem>>, vector<1x16xf32>,
      %swap3A_248 = vector.shape_cast %swap3A_247 : vector<1x16xf32> to vector<16xf32>
      %swap3A_249 = vector.shape_cast %get3A_244 : vector<16xf32> to vector<1x16xf32>
      tpu.vector_store %arg14[%swap3A_245, %swap3A_246], %swap3A_249 {strides = array<i32>} : memref<128x64xf32, #tpu.memory_space<vmem>>, vector<1x16xf32>,
      %get3A_250 = arith.index_cast %add3A_231 : i32 to index
      %get3A_251 = arith.constant 16 : index
      %get3A_252 = tpu.vector_load %arg10[%get3A_250, %get3A_251] {strides = array<i32>} : memref<128x128xf32, #tpu.memory_space<vmem>>, vector<1x16xf32>,
      %get3A_253 = vector.shape_cast %get3A_252 : vector<1x16xf32> to vector<16xf32>
      %swap3A_254 = arith.index_cast %add3A_231 : i32 to index
      %swap3A_255 = arith.constant 16 : index
      %swap3A_256 = tpu.vector_load %arg14[%swap3A_254, %swap3A_255] {strides = array<i32>} : memref<128x64xf32, #tpu.memory_space<vmem>>, vector<1x16xf32>,
      %swap3A_257 = vector.shape_cast %swap3A_256 : vector<1x16xf32> to vector<16xf32>
      %swap3A_258 = vector.shape_cast %get3A_253 : vector<16xf32> to vector<1x16xf32>
      tpu.vector_store %arg14[%swap3A_254, %swap3A_255], %swap3A_258 {strides = array<i32>} : memref<128x64xf32, #tpu.memory_space<vmem>>, vector<1x16xf32>,
      %get3A_259 = arith.index_cast %add3A_231 : i32 to index
      %get3A_260 = arith.constant 16 : index
      %get3A_261 = tpu.vector_load %arg12[%get3A_259, %get3A_260] {strides = array<i32>} : memref<128x128xf32, #tpu.memory_space<vmem>>, vector<1x16xf32>,
      %get3A_262 = vector.shape_cast %get3A_261 : vector<1x16xf32> to vector<16xf32>
      %swap3A_263 = arith.index_cast %add3A_231 : i32 to index
      %swap3A_264 = arith.constant 48 : index
      %swap3A_265 = tpu.vector_load %arg14[%swap3A_263, %swap3A_264] {strides = array<i32>} : memref<128x64xf32, #tpu.memory_space<vmem>>, vector<1x16xf32>,
      %swap3A_266 = vector.shape_cast %swap3A_265 : vector<1x16xf32> to vector<16xf32>
      %swap3A_267 = vector.shape_cast %get3A_262 : vector<16xf32> to vector<1x16xf32>
      tpu.vector_store %arg14[%swap3A_263, %swap3A_264], %swap3A_267 {strides = array<i32>} : memref<128x64xf32, #tpu.memory_space<vmem>>, vector<1x16xf32>,
      %mul3A_268 = arith.constant 4 : i32
      %mul3A_269 = arith.muli %scan3A_148, %mul3A_268 : i32
      %add3A_270 = arith.constant 3 : i32
      %add3A_271 = arith.addi %mul3A_269, %add3A_270 : i32
      %get3A_272 = arith.index_cast %add3A_271 : i32 to index
      %get3A_273 = arith.constant 0 : index
      %get3A_274 = tpu.vector_load %arg10[%get3A_272, %get3A_273] {strides = array<i32>} : memref<128x128xf32, #tpu.memory_space<vmem>>, vector<1x16xf32>,
      %get3A_275 = vector.shape_cast %get3A_274 : vector<1x16xf32> to vector<16xf32>
      %swap3A_276 = arith.index_cast %add3A_271 : i32 to index
      %swap3A_277 = arith.constant 0 : index
      %swap3A_278 = tpu.vector_load %arg14[%swap3A_276, %swap3A_277] {strides = array<i32>} : memref<128x64xf32, #tpu.memory_space<vmem>>, vector<1x16xf32>,
      %swap3A_279 = vector.shape_cast %swap3A_278 : vector<1x16xf32> to vector<16xf32>
      %swap3A_280 = vector.shape_cast %get3A_275 : vector<16xf32> to vector<1x16xf32>
      tpu.vector_store %arg14[%swap3A_276, %swap3A_277], %swap3A_280 {strides = array<i32>} : memref<128x64xf32, #tpu.memory_space<vmem>>, vector<1x16xf32>,
      %get3A_281 = arith.index_cast %add3A_271 : i32 to index
      %get3A_282 = arith.constant 0 : index
      %get3A_283 = tpu.vector_load %arg12[%get3A_281, %get3A_282] {strides = array<i32>} : memref<128x128xf32, #tpu.memory_space<vmem>>, vector<1x16xf32>,
      %get3A_284 = vector.shape_cast %get3A_283 : vector<1x16xf32> to vector<16xf32>
      %swap3A_285 = arith.index_cast %add3A_271 : i32 to index
      %swap3A_286 = arith.constant 32 : index
      %swap3A_287 = tpu.vector_load %arg14[%swap3A_285, %swap3A_286] {strides = array<i32>} : memref<128x64xf32, #tpu.memory_space<vmem>>, vector<1x16xf32>,
      %swap3A_288 = vector.shape_cast %swap3A_287 : vector<1x16xf32> to vector<16xf32>
      %swap3A_289 = vector.shape_cast %get3A_284 : vector<16xf32> to vector<1x16xf32>
      tpu.vector_store %arg14[%swap3A_285, %swap3A_286], %swap3A_289 {strides = array<i32>} : memref<128x64xf32, #tpu.memory_space<vmem>>, vector<1x16xf32>,
      %get3A_290 = arith.index_cast %add3A_271 : i32 to index
      %get3A_291 = arith.constant 16 : index
      %get3A_292 = tpu.vector_load %arg10[%get3A_290, %get3A_291] {strides = array<i32>} : memref<128x128xf32, #tpu.memory_space<vmem>>, vector<1x16xf32>,
      %get3A_293 = vector.shape_cast %get3A_292 : vector<1x16xf32> to vector<16xf32>
      %swap3A_294 = arith.index_cast %add3A_271 : i32 to index
      %swap3A_295 = arith.constant 16 : index
      %swap3A_296 = tpu.vector_load %arg14[%swap3A_294, %swap3A_295] {strides = array<i32>} : memref<128x64xf32, #tpu.memory_space<vmem>>, vector<1x16xf32>,
      %swap3A_297 = vector.shape_cast %swap3A_296 : vector<1x16xf32> to vector<16xf32>
      %swap3A_298 = vector.shape_cast %get3A_293 : vector<16xf32> to vector<1x16xf32>
      tpu.vector_store %arg14[%swap3A_294, %swap3A_295], %swap3A_298 {strides = array<i32>} : memref<128x64xf32, #tpu.memory_space<vmem>>, vector<1x16xf32>,
      %get3A_299 = arith.index_cast %add3A_271 : i32 to index
      %get3A_300 = arith.constant 16 : index
      %get3A_301 = tpu.vector_load %arg12[%get3A_299, %get3A_300] {strides = array<i32>} : memref<128x128xf32, #tpu.memory_space<vmem>>, vector<1x16xf32>,
      %get3A_302 = vector.shape_cast %get3A_301 : vector<1x16xf32> to vector<16xf32>
      %swap3A_303 = arith.index_cast %add3A_271 : i32 to index
      %swap3A_304 = arith.constant 48 : index
      %swap3A_305 = tpu.vector_load %arg14[%swap3A_303, %swap3A_304] {strides = array<i32>} : memref<128x64xf32, #tpu.memory_space<vmem>>, vector<1x16xf32>,
      %swap3A_306 = vector.shape_cast %swap3A_305 : vector<1x16xf32> to vector<16xf32>
      %swap3A_307 = vector.shape_cast %get3A_302 : vector<16xf32> to vector<1x16xf32>
      tpu.vector_store %arg14[%swap3A_303, %swap3A_304], %swap3A_307 {strides = array<i32>} : memref<128x64xf32, #tpu.memory_space<vmem>>, vector<1x16xf32>,
      %scan3A_308 = arith.constant 0 : i32
      scf.yield %scan3A_308 : i32
    }
    %scan3A_69 = arith.constant 32 : i32
    %dma_wait3A_70 = arith.constant 0 : i32
    %dma_wait3A_71 = tpu.memref_slice %arg6[%add3A_38, %dma_wait3A_70] : memref<16384x64xf32, #tpu.memory_space<hbm>> -> memref<128x64xf32, #tpu.memory_space<hbm>>
    %dma_wait3A_72 = arith.constant 0 : i32
    %dma_wait3A_73 = tpu.memref_slice %arg6[%add3A_38, %dma_wait3A_72] : memref<16384x64xf32, #tpu.memory_space<hbm>> -> memref<128x64xf32, #tpu.memory_space<hbm>>
    tpu.wait_dma2 semaphore(%arg16 : memref<!tpu.dma_semaphore, #tpu.memory_space<semaphore_mem>>) src(%arg13 : memref<128x64xf32, #tpu.memory_space<vmem>>) dst(%dma_wait3A_73 : memref<128x64xf32, #tpu.memory_space<hbm>>)
    %add3A_74 = arith.constant 128 : i32
    %add3A_75 = arith.addi %mul3A_2, %add3A_74 : i32
    %dma_start3A_76 = arith.constant 0 : i32
    %dma_start3A_77 = tpu.memref_slice %arg6[%add3A_75, %dma_start3A_76] : memref<16384x64xf32, #tpu.memory_space<hbm>> -> memref<128x64xf32, #tpu.memory_space<hbm>>
    %dma_start3A_78 = arith.constant 0 : i32
    %dma_start3A_79 = tpu.memref_slice %arg6[%add3A_75, %dma_start3A_78] : memref<16384x64xf32, #tpu.memory_space<hbm>> -> memref<128x64xf32, #tpu.memory_space<hbm>>
    tpu.enqueue_dma source(%arg14 : memref<128x64xf32, #tpu.memory_space<vmem>>) target(%dma_start3A_79 : memref<128x64xf32, #tpu.memory_space<hbm>>) target_semaphore(%arg16 : memref<!tpu.dma_semaphore, #tpu.memory_space<semaphore_mem>>)
    %dma_wait3A_80 = arith.constant 256 : i32
    %dma_wait3A_81 = tpu.memref_slice %arg7[%dma_wait3A_80] : memref<512xi32, #tpu.memory_space<vmem>> -> memref<128xi32, #tpu.memory_space<vmem>>
    %dma_wait3A_82 = arith.constant 0 : i32
    %dma_wait3A_83 = arith.constant 0 : i32
    %dma_wait3A_84 = tpu.memref_slice %arg4[%dma_wait3A_82, %dma_wait3A_83] : memref<100001x128xf32, #tpu.memory_space<hbm>> -> memref<100001x128xf32, #tpu.memory_space<hbm>>
    tpu.wait_indirect_dma semaphore(%arg15 : memref<!tpu.dma_semaphore, #tpu.memory_space<semaphore_mem>>) src(%dma_wait3A_84 : memref<100001x128xf32, #tpu.memory_space<hbm>>) dst(%arg9 : memref<128x128xf32, #tpu.memory_space<vmem>>)
    %dma_wait3A_85 = arith.constant 256 : i32
    %dma_wait3A_86 = tpu.memref_slice %arg8[%dma_wait3A_85] : memref<512xi32, #tpu.memory_space<vmem>> -> memref<128xi32, #tpu.memory_space<vmem>>
    %dma_wait3A_87 = arith.constant 0 : i32
    %dma_wait3A_88 = arith.constant 0 : i32
    %dma_wait3A_89 = tpu.memref_slice %arg5[%dma_wait3A_87, %dma_wait3A_88] : memref<100001x128xf32, #tpu.memory_space<hbm>> -> memref<100001x128xf32, #tpu.memory_space<hbm>>
    tpu.wait_indirect_dma semaphore(%arg15 : memref<!tpu.dma_semaphore, #tpu.memory_space<semaphore_mem>>) src(%dma_wait3A_89 : memref<100001x128xf32, #tpu.memory_space<hbm>>) dst(%arg11 : memref<128x128xf32, #tpu.memory_space<vmem>>)
    %dma_start3A_90 = arith.constant 384 : i32
    %dma_start3A_91 = tpu.memref_slice %arg7[%dma_start3A_90] : memref<512xi32, #tpu.memory_space<vmem>> -> memref<128xi32, #tpu.memory_space<vmem>>
    %dma_start3A_92 = arith.constant 0 : i32
    %dma_start3A_93 = arith.constant 0 : i32
    %dma_start3A_94 = tpu.memref_slice %arg4[%dma_start3A_92, %dma_start3A_93] : memref<100001x128xf32, #tpu.memory_space<hbm>> -> memref<100001x128xf32, #tpu.memory_space<hbm>>
    tpu.enqueue_indirect_dma source(%dma_start3A_94 : memref<100001x128xf32, #tpu.memory_space<hbm>>) target(%arg10 : memref<128x128xf32, #tpu.memory_space<vmem>>) offsets(%dma_start3A_91 : memref<128xi32, #tpu.memory_space<vmem>>) semaphore(%arg15 : memref<!tpu.dma_semaphore, #tpu.memory_space<semaphore_mem>>)
    %dma_start3A_95 = arith.constant 384 : i32
    %dma_start3A_96 = tpu.memref_slice %arg8[%dma_start3A_95] : memref<512xi32, #tpu.memory_space<vmem>> -> memref<128xi32, #tpu.memory_space<vmem>>
    %dma_start3A_97 = arith.constant 0 : i32
    %dma_start3A_98 = arith.constant 0 : i32
    %dma_start3A_99 = tpu.memref_slice %arg5[%dma_start3A_97, %dma_start3A_98] : memref<100001x128xf32, #tpu.memory_space<hbm>> -> memref<100001x128xf32, #tpu.memory_space<hbm>>
    tpu.enqueue_indirect_dma source(%dma_start3A_99 : memref<100001x128xf32, #tpu.memory_space<hbm>>) target(%arg12 : memref<128x128xf32, #tpu.memory_space<vmem>>) offsets(%dma_start3A_96 : memref<128xi32, #tpu.memory_space<vmem>>) semaphore(%arg15 : memref<!tpu.dma_semaphore, #tpu.memory_space<semaphore_mem>>)
    %scan3A_100 = arith.constant 0 : i32
    %scan3A_101 = arith.constant 0 : i32
    %scan3A_102 = arith.constant 32 : i32
    %scan3A_103 = arith.addi %scan3A_101, %scan3A_102 : i32
    %scan3A_104 = arith.constant 1 : i32
    %scan3A_105 = scf.for %scan3A_148 = %scan3A_101 to %scan3A_103 step %scan3A_104 iter_args(%scan3A_149 = %scan3A_100) -> (i32)  : i32 {
      %mul3A_150 = arith.constant 4 : i32
      %mul3A_151 = arith.muli %scan3A_148, %mul3A_150 : i32
      %add3A_152 = arith.constant 0 : i32
      %add3A_153 = arith.addi %mul3A_151, %add3A_152 : i32
      %get3A = arith.index_cast %add3A_153 : i32 to index
      %get3A_154 = arith.constant 0 : index
      %get3A_155 = tpu.vector_load %arg9[%get3A, %get3A_154] {strides = array<i32>} : memref<128x128xf32, #tpu.memory_space<vmem>>, vector<1x16xf32>,
      %get3A_156 = vector.shape_cast %get3A_155 : vector<1x16xf32> to vector<16xf32>
      %swap3A = arith.index_cast %add3A_153 : i32 to index
      %swap3A_157 = arith.constant 0 : index
      %swap3A_158 = tpu.vector_load %arg13[%swap3A, %swap3A_157] {strides = array<i32>} : memref<128x64xf32, #tpu.memory_space<vmem>>, vector<1x16xf32>,
      %swap3A_159 = vector.shape_cast %swap3A_158 : vector<1x16xf32> to vector<16xf32>
      %swap3A_160 = vector.shape_cast %get3A_156 : vector<16xf32> to vector<1x16xf32>
      tpu.vector_store %arg13[%swap3A, %swap3A_157], %swap3A_160 {strides = array<i32>} : memref<128x64xf32, #tpu.memory_space<vmem>>, vector<1x16xf32>,
      %get3A_161 = arith.index_cast %add3A_153 : i32 to index
      %get3A_162 = arith.constant 0 : index
      %get3A_163 = tpu.vector_load %arg11[%get3A_161, %get3A_162] {strides = array<i32>} : memref<128x128xf32, #tpu.memory_space<vmem>>, vector<1x16xf32>,
      %get3A_164 = vector.shape_cast %get3A_163 : vector<1x16xf32> to vector<16xf32>
      %swap3A_165 = arith.index_cast %add3A_153 : i32 to index
      %swap3A_166 = arith.constant 32 : index
      %swap3A_167 = tpu.vector_load %arg13[%swap3A_165, %swap3A_166] {strides = array<i32>} : memref<128x64xf32, #tpu.memory_space<vmem>>, vector<1x16xf32>,
      %swap3A_168 = vector.shape_cast %swap3A_167 : vector<1x16xf32> to vector<16xf32>
      %swap3A_169 = vector.shape_cast %get3A_164 : vector<16xf32> to vector<1x16xf32>
      tpu.vector_store %arg13[%swap3A_165, %swap3A_166], %swap3A_169 {strides = array<i32>} : memref<128x64xf32, #tpu.memory_space<vmem>>, vector<1x16xf32>,
      %get3A_170 = arith.index_cast %add3A_153 : i32 to index
      %get3A_171 = arith.constant 16 : index
      %get3A_172 = tpu.vector_load %arg9[%get3A_170, %get3A_171] {strides = array<i32>} : memref<128x128xf32, #tpu.memory_space<vmem>>, vector<1x16xf32>,
      %get3A_173 = vector.shape_cast %get3A_172 : vector<1x16xf32> to vector<16xf32>
      %swap3A_174 = arith.index_cast %add3A_153 : i32 to index
      %swap3A_175 = arith.constant 16 : index
      %swap3A_176 = tpu.vector_load %arg13[%swap3A_174, %swap3A_175] {strides = array<i32>} : memref<128x64xf32, #tpu.memory_space<vmem>>, vector<1x16xf32>,
      %swap3A_177 = vector.shape_cast %swap3A_176 : vector<1x16xf32> to vector<16xf32>
      %swap3A_178 = vector.shape_cast %get3A_173 : vector<16xf32> to vector<1x16xf32>
      tpu.vector_store %arg13[%swap3A_174, %swap3A_175], %swap3A_178 {strides = array<i32>} : memref<128x64xf32, #tpu.memory_space<vmem>>, vector<1x16xf32>,
      %get3A_179 = arith.index_cast %add3A_153 : i32 to index
      %get3A_180 = arith.constant 16 : index
      %get3A_181 = tpu.vector_load %arg11[%get3A_179, %get3A_180] {strides = array<i32>} : memref<128x128xf32, #tpu.memory_space<vmem>>, vector<1x16xf32>,
      %get3A_182 = vector.shape_cast %get3A_181 : vector<1x16xf32> to vector<16xf32>
      %swap3A_183 = arith.index_cast %add3A_153 : i32 to index
      %swap3A_184 = arith.constant 48 : index
      %swap3A_185 = tpu.vector_load %arg13[%swap3A_183, %swap3A_184] {strides = array<i32>} : memref<128x64xf32, #tpu.memory_space<vmem>>, vector<1x16xf32>,
      %swap3A_186 = vector.shape_cast %swap3A_185 : vector<1x16xf32> to vector<16xf32>
      %swap3A_187 = vector.shape_cast %get3A_182 : vector<16xf32> to vector<1x16xf32>
      tpu.vector_store %arg13[%swap3A_183, %swap3A_184], %swap3A_187 {strides = array<i32>} : memref<128x64xf32, #tpu.memory_space<vmem>>, vector<1x16xf32>,
      %mul3A_188 = arith.constant 4 : i32
      %mul3A_189 = arith.muli %scan3A_148, %mul3A_188 : i32
      %add3A_190 = arith.constant 1 : i32
      %add3A_191 = arith.addi %mul3A_189, %add3A_190 : i32
      %get3A_192 = arith.index_cast %add3A_191 : i32 to index
      %get3A_193 = arith.constant 0 : index
      %get3A_194 = tpu.vector_load %arg9[%get3A_192, %get3A_193] {strides = array<i32>} : memref<128x128xf32, #tpu.memory_space<vmem>>, vector<1x16xf32>,
      %get3A_195 = vector.shape_cast %get3A_194 : vector<1x16xf32> to vector<16xf32>
      %swap3A_196 = arith.index_cast %add3A_191 : i32 to index
      %swap3A_197 = arith.constant 0 : index
      %swap3A_198 = tpu.vector_load %arg13[%swap3A_196, %swap3A_197] {strides = array<i32>} : memref<128x64xf32, #tpu.memory_space<vmem>>, vector<1x16xf32>,
      %swap3A_199 = vector.shape_cast %swap3A_198 : vector<1x16xf32> to vector<16xf32>
      %swap3A_200 = vector.shape_cast %get3A_195 : vector<16xf32> to vector<1x16xf32>
      tpu.vector_store %arg13[%swap3A_196, %swap3A_197], %swap3A_200 {strides = array<i32>} : memref<128x64xf32, #tpu.memory_space<vmem>>, vector<1x16xf32>,
      %get3A_201 = arith.index_cast %add3A_191 : i32 to index
      %get3A_202 = arith.constant 0 : index
      %get3A_203 = tpu.vector_load %arg11[%get3A_201, %get3A_202] {strides = array<i32>} : memref<128x128xf32, #tpu.memory_space<vmem>>, vector<1x16xf32>,
      %get3A_204 = vector.shape_cast %get3A_203 : vector<1x16xf32> to vector<16xf32>
      %swap3A_205 = arith.index_cast %add3A_191 : i32 to index
      %swap3A_206 = arith.constant 32 : index
      %swap3A_207 = tpu.vector_load %arg13[%swap3A_205, %swap3A_206] {strides = array<i32>} : memref<128x64xf32, #tpu.memory_space<vmem>>, vector<1x16xf32>,
      %swap3A_208 = vector.shape_cast %swap3A_207 : vector<1x16xf32> to vector<16xf32>
      %swap3A_209 = vector.shape_cast %get3A_204 : vector<16xf32> to vector<1x16xf32>
      tpu.vector_store %arg13[%swap3A_205, %swap3A_206], %swap3A_209 {strides = array<i32>} : memref<128x64xf32, #tpu.memory_space<vmem>>, vector<1x16xf32>,
      %get3A_210 = arith.index_cast %add3A_191 : i32 to index
      %get3A_211 = arith.constant 16 : index
      %get3A_212 = tpu.vector_load %arg9[%get3A_210, %get3A_211] {strides = array<i32>} : memref<128x128xf32, #tpu.memory_space<vmem>>, vector<1x16xf32>,
      %get3A_213 = vector.shape_cast %get3A_212 : vector<1x16xf32> to vector<16xf32>
      %swap3A_214 = arith.index_cast %add3A_191 : i32 to index
      %swap3A_215 = arith.constant 16 : index
      %swap3A_216 = tpu.vector_load %arg13[%swap3A_214, %swap3A_215] {strides = array<i32>} : memref<128x64xf32, #tpu.memory_space<vmem>>, vector<1x16xf32>,
      %swap3A_217 = vector.shape_cast %swap3A_216 : vector<1x16xf32> to vector<16xf32>
      %swap3A_218 = vector.shape_cast %get3A_213 : vector<16xf32> to vector<1x16xf32>
      tpu.vector_store %arg13[%swap3A_214, %swap3A_215], %swap3A_218 {strides = array<i32>} : memref<128x64xf32, #tpu.memory_space<vmem>>, vector<1x16xf32>,
      %get3A_219 = arith.index_cast %add3A_191 : i32 to index
      %get3A_220 = arith.constant 16 : index
      %get3A_221 = tpu.vector_load %arg11[%get3A_219, %get3A_220] {strides = array<i32>} : memref<128x128xf32, #tpu.memory_space<vmem>>, vector<1x16xf32>,
      %get3A_222 = vector.shape_cast %get3A_221 : vector<1x16xf32> to vector<16xf32>
      %swap3A_223 = arith.index_cast %add3A_191 : i32 to index
      %swap3A_224 = arith.constant 48 : index
      %swap3A_225 = tpu.vector_load %arg13[%swap3A_223, %swap3A_224] {strides = array<i32>} : memref<128x64xf32, #tpu.memory_space<vmem>>, vector<1x16xf32>,
      %swap3A_226 = vector.shape_cast %swap3A_225 : vector<1x16xf32> to vector<16xf32>
      %swap3A_227 = vector.shape_cast %get3A_222 : vector<16xf32> to vector<1x16xf32>
      tpu.vector_store %arg13[%swap3A_223, %swap3A_224], %swap3A_227 {strides = array<i32>} : memref<128x64xf32, #tpu.memory_space<vmem>>, vector<1x16xf32>,
      %mul3A_228 = arith.constant 4 : i32
      %mul3A_229 = arith.muli %scan3A_148, %mul3A_228 : i32
      %add3A_230 = arith.constant 2 : i32
      %add3A_231 = arith.addi %mul3A_229, %add3A_230 : i32
      %get3A_232 = arith.index_cast %add3A_231 : i32 to index
      %get3A_233 = arith.constant 0 : index
      %get3A_234 = tpu.vector_load %arg9[%get3A_232, %get3A_233] {strides = array<i32>} : memref<128x128xf32, #tpu.memory_space<vmem>>, vector<1x16xf32>,
      %get3A_235 = vector.shape_cast %get3A_234 : vector<1x16xf32> to vector<16xf32>
      %swap3A_236 = arith.index_cast %add3A_231 : i32 to index
      %swap3A_237 = arith.constant 0 : index
      %swap3A_238 = tpu.vector_load %arg13[%swap3A_236, %swap3A_237] {strides = array<i32>} : memref<128x64xf32, #tpu.memory_space<vmem>>, vector<1x16xf32>,
      %swap3A_239 = vector.shape_cast %swap3A_238 : vector<1x16xf32> to vector<16xf32>
      %swap3A_240 = vector.shape_cast %get3A_235 : vector<16xf32> to vector<1x16xf32>
      tpu.vector_store %arg13[%swap3A_236, %swap3A_237], %swap3A_240 {strides = array<i32>} : memref<128x64xf32, #tpu.memory_space<vmem>>, vector<1x16xf32>,
      %get3A_241 = arith.index_cast %add3A_231 : i32 to index
      %get3A_242 = arith.constant 0 : index
      %get3A_243 = tpu.vector_load %arg11[%get3A_241, %get3A_242] {strides = array<i32>} : memref<128x128xf32, #tpu.memory_space<vmem>>, vector<1x16xf32>,
      %get3A_244 = vector.shape_cast %get3A_243 : vector<1x16xf32> to vector<16xf32>
      %swap3A_245 = arith.index_cast %add3A_231 : i32 to index
      %swap3A_246 = arith.constant 32 : index
      %swap3A_247 = tpu.vector_load %arg13[%swap3A_245, %swap3A_246] {strides = array<i32>} : memref<128x64xf32, #tpu.memory_space<vmem>>, vector<1x16xf32>,
      %swap3A_248 = vector.shape_cast %swap3A_247 : vector<1x16xf32> to vector<16xf32>
      %swap3A_249 = vector.shape_cast %get3A_244 : vector<16xf32> to vector<1x16xf32>
      tpu.vector_store %arg13[%swap3A_245, %swap3A_246], %swap3A_249 {strides = array<i32>} : memref<128x64xf32, #tpu.memory_space<vmem>>, vector<1x16xf32>,
      %get3A_250 = arith.index_cast %add3A_231 : i32 to index
      %get3A_251 = arith.constant 16 : index
      %get3A_252 = tpu.vector_load %arg9[%get3A_250, %get3A_251] {strides = array<i32>} : memref<128x128xf32, #tpu.memory_space<vmem>>, vector<1x16xf32>,
      %get3A_253 = vector.shape_cast %get3A_252 : vector<1x16xf32> to vector<16xf32>
      %swap3A_254 = arith.index_cast %add3A_231 : i32 to index
      %swap3A_255 = arith.constant 16 : index
      %swap3A_256 = tpu.vector_load %arg13[%swap3A_254, %swap3A_255] {strides = array<i32>} : memref<128x64xf32, #tpu.memory_space<vmem>>, vector<1x16xf32>,
      %swap3A_257 = vector.shape_cast %swap3A_256 : vector<1x16xf32> to vector<16xf32>
      %swap3A_258 = vector.shape_cast %get3A_253 : vector<16xf32> to vector<1x16xf32>
      tpu.vector_store %arg13[%swap3A_254, %swap3A_255], %swap3A_258 {strides = array<i32>} : memref<128x64xf32, #tpu.memory_space<vmem>>, vector<1x16xf32>,
      %get3A_259 = arith.index_cast %add3A_231 : i32 to index
      %get3A_260 = arith.constant 16 : index
      %get3A_261 = tpu.vector_load %arg11[%get3A_259, %get3A_260] {strides = array<i32>} : memref<128x128xf32, #tpu.memory_space<vmem>>, vector<1x16xf32>,
      %get3A_262 = vector.shape_cast %get3A_261 : vector<1x16xf32> to vector<16xf32>
      %swap3A_263 = arith.index_cast %add3A_231 : i32 to index
      %swap3A_264 = arith.constant 48 : index
      %swap3A_265 = tpu.vector_load %arg13[%swap3A_263, %swap3A_264] {strides = array<i32>} : memref<128x64xf32, #tpu.memory_space<vmem>>, vector<1x16xf32>,
      %swap3A_266 = vector.shape_cast %swap3A_265 : vector<1x16xf32> to vector<16xf32>
      %swap3A_267 = vector.shape_cast %get3A_262 : vector<16xf32> to vector<1x16xf32>
      tpu.vector_store %arg13[%swap3A_263, %swap3A_264], %swap3A_267 {strides = array<i32>} : memref<128x64xf32, #tpu.memory_space<vmem>>, vector<1x16xf32>,
      %mul3A_268 = arith.constant 4 : i32
      %mul3A_269 = arith.muli %scan3A_148, %mul3A_268 : i32
      %add3A_270 = arith.constant 3 : i32
      %add3A_271 = arith.addi %mul3A_269, %add3A_270 : i32
      %get3A_272 = arith.index_cast %add3A_271 : i32 to index
      %get3A_273 = arith.constant 0 : index
      %get3A_274 = tpu.vector_load %arg9[%get3A_272, %get3A_273] {strides = array<i32>} : memref<128x128xf32, #tpu.memory_space<vmem>>, vector<1x16xf32>,
      %get3A_275 = vector.shape_cast %get3A_274 : vector<1x16xf32> to vector<16xf32>
      %swap3A_276 = arith.index_cast %add3A_271 : i32 to index
      %swap3A_277 = arith.constant 0 : index
      %swap3A_278 = tpu.vector_load %arg13[%swap3A_276, %swap3A_277] {strides = array<i32>} : memref<128x64xf32, #tpu.memory_space<vmem>>, vector<1x16xf32>,
      %swap3A_279 = vector.shape_cast %swap3A_278 : vector<1x16xf32> to vector<16xf32>
      %swap3A_280 = vector.shape_cast %get3A_275 : vector<16xf32> to vector<1x16xf32>
      tpu.vector_store %arg13[%swap3A_276, %swap3A_277], %swap3A_280 {strides = array<i32>} : memref<128x64xf32, #tpu.memory_space<vmem>>, vector<1x16xf32>,
      %get3A_281 = arith.index_cast %add3A_271 : i32 to index
      %get3A_282 = arith.constant 0 : index
      %get3A_283 = tpu.vector_load %arg11[%get3A_281, %get3A_282] {strides = array<i32>} : memref<128x128xf32, #tpu.memory_space<vmem>>, vector<1x16xf32>,
      %get3A_284 = vector.shape_cast %get3A_283 : vector<1x16xf32> to vector<16xf32>
      %swap3A_285 = arith.index_cast %add3A_271 : i32 to index
      %swap3A_286 = arith.constant 32 : index
      %swap3A_287 = tpu.vector_load %arg13[%swap3A_285, %swap3A_286] {strides = array<i32>} : memref<128x64xf32, #tpu.memory_space<vmem>>, vector<1x16xf32>,
      %swap3A_288 = vector.shape_cast %swap3A_287 : vector<1x16xf32> to vector<16xf32>
      %swap3A_289 = vector.shape_cast %get3A_284 : vector<16xf32> to vector<1x16xf32>
      tpu.vector_store %arg13[%swap3A_285, %swap3A_286], %swap3A_289 {strides = array<i32>} : memref<128x64xf32, #tpu.memory_space<vmem>>, vector<1x16xf32>,
      %get3A_290 = arith.index_cast %add3A_271 : i32 to index
      %get3A_291 = arith.constant 16 : index
      %get3A_292 = tpu.vector_load %arg9[%get3A_290, %get3A_291] {strides = array<i32>} : memref<128x128xf32, #tpu.memory_space<vmem>>, vector<1x16xf32>,
      %get3A_293 = vector.shape_cast %get3A_292 : vector<1x16xf32> to vector<16xf32>
      %swap3A_294 = arith.index_cast %add3A_271 : i32 to index
      %swap3A_295 = arith.constant 16 : index
      %swap3A_296 = tpu.vector_load %arg13[%swap3A_294, %swap3A_295] {strides = array<i32>} : memref<128x64xf32, #tpu.memory_space<vmem>>, vector<1x16xf32>,
      %swap3A_297 = vector.shape_cast %swap3A_296 : vector<1x16xf32> to vector<16xf32>
      %swap3A_298 = vector.shape_cast %get3A_293 : vector<16xf32> to vector<1x16xf32>
      tpu.vector_store %arg13[%swap3A_294, %swap3A_295], %swap3A_298 {strides = array<i32>} : memref<128x64xf32, #tpu.memory_space<vmem>>, vector<1x16xf32>,
      %get3A_299 = arith.index_cast %add3A_271 : i32 to index
      %get3A_300 = arith.constant 16 : index
      %get3A_301 = tpu.vector_load %arg11[%get3A_299, %get3A_300] {strides = array<i32>} : memref<128x128xf32, #tpu.memory_space<vmem>>, vector<1x16xf32>,
      %get3A_302 = vector.shape_cast %get3A_301 : vector<1x16xf32> to vector<16xf32>
      %swap3A_303 = arith.index_cast %add3A_271 : i32 to index
      %swap3A_304 = arith.constant 48 : index
      %swap3A_305 = tpu.vector_load %arg13[%swap3A_303, %swap3A_304] {strides = array<i32>} : memref<128x64xf32, #tpu.memory_space<vmem>>, vector<1x16xf32>,
      %swap3A_306 = vector.shape_cast %swap3A_305 : vector<1x16xf32> to vector<16xf32>
      %swap3A_307 = vector.shape_cast %get3A_302 : vector<16xf32> to vector<1x16xf32>
      tpu.vector_store %arg13[%swap3A_303, %swap3A_304], %swap3A_307 {strides = array<i32>} : memref<128x64xf32, #tpu.memory_space<vmem>>, vector<1x16xf32>,
      %scan3A_308 = arith.constant 0 : i32
      scf.yield %scan3A_308 : i32
    }
    %scan3A_106 = arith.constant 32 : i32
    %dma_wait3A_107 = arith.constant 0 : i32
    %dma_wait3A_108 = tpu.memref_slice %arg6[%add3A_75, %dma_wait3A_107] : memref<16384x64xf32, #tpu.memory_space<hbm>> -> memref<128x64xf32, #tpu.memory_space<hbm>>
    %dma_wait3A_109 = arith.constant 0 : i32
    %dma_wait3A_110 = tpu.memref_slice %arg6[%add3A_75, %dma_wait3A_109] : memref<16384x64xf32, #tpu.memory_space<hbm>> -> memref<128x64xf32, #tpu.memory_space<hbm>>
    tpu.wait_dma2 semaphore(%arg16 : memref<!tpu.dma_semaphore, #tpu.memory_space<semaphore_mem>>) src(%arg14 : memref<128x64xf32, #tpu.memory_space<vmem>>) dst(%dma_wait3A_110 : memref<128x64xf32, #tpu.memory_space<hbm>>)
    %add3A_111 = arith.constant 256 : i32
    %add3A_112 = arith.addi %mul3A_2, %add3A_111 : i32
    %dma_start3A_113 = arith.constant 0 : i32
    %dma_start3A_114 = tpu.memref_slice %arg6[%add3A_112, %dma_start3A_113] : memref<16384x64xf32, #tpu.memory_space<hbm>> -> memref<128x64xf32, #tpu.memory_space<hbm>>
    %dma_start3A_115 = arith.constant 0 : i32
    %dma_start3A_116 = tpu.memref_slice %arg6[%add3A_112, %dma_start3A_115] : memref<16384x64xf32, #tpu.memory_space<hbm>> -> memref<128x64xf32, #tpu.memory_space<hbm>>
    tpu.enqueue_dma source(%arg13 : memref<128x64xf32, #tpu.memory_space<vmem>>) target(%dma_start3A_116 : memref<128x64xf32, #tpu.memory_space<hbm>>) target_semaphore(%arg16 : memref<!tpu.dma_semaphore, #tpu.memory_space<semaphore_mem>>)
    %dma_wait3A_117 = arith.constant 384 : i32
    %dma_wait3A_118 = tpu.memref_slice %arg7[%dma_wait3A_117] : memref<512xi32, #tpu.memory_space<vmem>> -> memref<128xi32, #tpu.memory_space<vmem>>
    %dma_wait3A_119 = arith.constant 0 : i32
    %dma_wait3A_120 = arith.constant 0 : i32
    %dma_wait3A_121 = tpu.memref_slice %arg4[%dma_wait3A_119, %dma_wait3A_120] : memref<100001x128xf32, #tpu.memory_space<hbm>> -> memref<100001x128xf32, #tpu.memory_space<hbm>>
    tpu.wait_indirect_dma semaphore(%arg15 : memref<!tpu.dma_semaphore, #tpu.memory_space<semaphore_mem>>) src(%dma_wait3A_121 : memref<100001x128xf32, #tpu.memory_space<hbm>>) dst(%arg10 : memref<128x128xf32, #tpu.memory_space<vmem>>)
    %dma_wait3A_122 = arith.constant 384 : i32
    %dma_wait3A_123 = tpu.memref_slice %arg8[%dma_wait3A_122] : memref<512xi32, #tpu.memory_space<vmem>> -> memref<128xi32, #tpu.memory_space<vmem>>
    %dma_wait3A_124 = arith.constant 0 : i32
    %dma_wait3A_125 = arith.constant 0 : i32
    %dma_wait3A_126 = tpu.memref_slice %arg5[%dma_wait3A_124, %dma_wait3A_125] : memref<100001x128xf32, #tpu.memory_space<hbm>> -> memref<100001x128xf32, #tpu.memory_space<hbm>>
    tpu.wait_indirect_dma semaphore(%arg15 : memref<!tpu.dma_semaphore, #tpu.memory_space<semaphore_mem>>) src(%dma_wait3A_126 : memref<100001x128xf32, #tpu.memory_space<hbm>>) dst(%arg12 : memref<128x128xf32, #tpu.memory_space<vmem>>)
    %scan3A_127 = arith.constant 0 : i32
    %scan3A_128 = arith.constant 0 : i32
    %scan3A_129 = arith.constant 32 : i32
    %scan3A_130 = arith.addi %scan3A_128, %scan3A_129 : i32
    %scan3A_131 = arith.constant 1 : i32
    %scan3A_132 = scf.for %scan3A_148 = %scan3A_128 to %scan3A_130 step %scan3A_131 iter_args(%scan3A_149 = %scan3A_127) -> (i32)  : i32 {
      %mul3A_150 = arith.constant 4 : i32
      %mul3A_151 = arith.muli %scan3A_148, %mul3A_150 : i32
      %add3A_152 = arith.constant 0 : i32
      %add3A_153 = arith.addi %mul3A_151, %add3A_152 : i32
      %get3A = arith.index_cast %add3A_153 : i32 to index
      %get3A_154 = arith.constant 0 : index
      %get3A_155 = tpu.vector_load %arg10[%get3A, %get3A_154] {strides = array<i32>} : memref<128x128xf32, #tpu.memory_space<vmem>>, vector<1x16xf32>,
      %get3A_156 = vector.shape_cast %get3A_155 : vector<1x16xf32> to vector<16xf32>
      %swap3A = arith.index_cast %add3A_153 : i32 to index
      %swap3A_157 = arith.constant 0 : index
      %swap3A_158 = tpu.vector_load %arg14[%swap3A, %swap3A_157] {strides = array<i32>} : memref<128x64xf32, #tpu.memory_space<vmem>>, vector<1x16xf32>,
      %swap3A_159 = vector.shape_cast %swap3A_158 : vector<1x16xf32> to vector<16xf32>
      %swap3A_160 = vector.shape_cast %get3A_156 : vector<16xf32> to vector<1x16xf32>
      tpu.vector_store %arg14[%swap3A, %swap3A_157], %swap3A_160 {strides = array<i32>} : memref<128x64xf32, #tpu.memory_space<vmem>>, vector<1x16xf32>,
      %get3A_161 = arith.index_cast %add3A_153 : i32 to index
      %get3A_162 = arith.constant 0 : index
      %get3A_163 = tpu.vector_load %arg12[%get3A_161, %get3A_162] {strides = array<i32>} : memref<128x128xf32, #tpu.memory_space<vmem>>, vector<1x16xf32>,
      %get3A_164 = vector.shape_cast %get3A_163 : vector<1x16xf32> to vector<16xf32>
      %swap3A_165 = arith.index_cast %add3A_153 : i32 to index
      %swap3A_166 = arith.constant 32 : index
      %swap3A_167 = tpu.vector_load %arg14[%swap3A_165, %swap3A_166] {strides = array<i32>} : memref<128x64xf32, #tpu.memory_space<vmem>>, vector<1x16xf32>,
      %swap3A_168 = vector.shape_cast %swap3A_167 : vector<1x16xf32> to vector<16xf32>
      %swap3A_169 = vector.shape_cast %get3A_164 : vector<16xf32> to vector<1x16xf32>
      tpu.vector_store %arg14[%swap3A_165, %swap3A_166], %swap3A_169 {strides = array<i32>} : memref<128x64xf32, #tpu.memory_space<vmem>>, vector<1x16xf32>,
      %get3A_170 = arith.index_cast %add3A_153 : i32 to index
      %get3A_171 = arith.constant 16 : index
      %get3A_172 = tpu.vector_load %arg10[%get3A_170, %get3A_171] {strides = array<i32>} : memref<128x128xf32, #tpu.memory_space<vmem>>, vector<1x16xf32>,
      %get3A_173 = vector.shape_cast %get3A_172 : vector<1x16xf32> to vector<16xf32>
      %swap3A_174 = arith.index_cast %add3A_153 : i32 to index
      %swap3A_175 = arith.constant 16 : index
      %swap3A_176 = tpu.vector_load %arg14[%swap3A_174, %swap3A_175] {strides = array<i32>} : memref<128x64xf32, #tpu.memory_space<vmem>>, vector<1x16xf32>,
      %swap3A_177 = vector.shape_cast %swap3A_176 : vector<1x16xf32> to vector<16xf32>
      %swap3A_178 = vector.shape_cast %get3A_173 : vector<16xf32> to vector<1x16xf32>
      tpu.vector_store %arg14[%swap3A_174, %swap3A_175], %swap3A_178 {strides = array<i32>} : memref<128x64xf32, #tpu.memory_space<vmem>>, vector<1x16xf32>,
      %get3A_179 = arith.index_cast %add3A_153 : i32 to index
      %get3A_180 = arith.constant 16 : index
      %get3A_181 = tpu.vector_load %arg12[%get3A_179, %get3A_180] {strides = array<i32>} : memref<128x128xf32, #tpu.memory_space<vmem>>, vector<1x16xf32>,
      %get3A_182 = vector.shape_cast %get3A_181 : vector<1x16xf32> to vector<16xf32>
      %swap3A_183 = arith.index_cast %add3A_153 : i32 to index
      %swap3A_184 = arith.constant 48 : index
      %swap3A_185 = tpu.vector_load %arg14[%swap3A_183, %swap3A_184] {strides = array<i32>} : memref<128x64xf32, #tpu.memory_space<vmem>>, vector<1x16xf32>,
      %swap3A_186 = vector.shape_cast %swap3A_185 : vector<1x16xf32> to vector<16xf32>
      %swap3A_187 = vector.shape_cast %get3A_182 : vector<16xf32> to vector<1x16xf32>
      tpu.vector_store %arg14[%swap3A_183, %swap3A_184], %swap3A_187 {strides = array<i32>} : memref<128x64xf32, #tpu.memory_space<vmem>>, vector<1x16xf32>,
      %mul3A_188 = arith.constant 4 : i32
      %mul3A_189 = arith.muli %scan3A_148, %mul3A_188 : i32
      %add3A_190 = arith.constant 1 : i32
      %add3A_191 = arith.addi %mul3A_189, %add3A_190 : i32
      %get3A_192 = arith.index_cast %add3A_191 : i32 to index
      %get3A_193 = arith.constant 0 : index
      %get3A_194 = tpu.vector_load %arg10[%get3A_192, %get3A_193] {strides = array<i32>} : memref<128x128xf32, #tpu.memory_space<vmem>>, vector<1x16xf32>,
      %get3A_195 = vector.shape_cast %get3A_194 : vector<1x16xf32> to vector<16xf32>
      %swap3A_196 = arith.index_cast %add3A_191 : i32 to index
      %swap3A_197 = arith.constant 0 : index
      %swap3A_198 = tpu.vector_load %arg14[%swap3A_196, %swap3A_197] {strides = array<i32>} : memref<128x64xf32, #tpu.memory_space<vmem>>, vector<1x16xf32>,
      %swap3A_199 = vector.shape_cast %swap3A_198 : vector<1x16xf32> to vector<16xf32>
      %swap3A_200 = vector.shape_cast %get3A_195 : vector<16xf32> to vector<1x16xf32>
      tpu.vector_store %arg14[%swap3A_196, %swap3A_197], %swap3A_200 {strides = array<i32>} : memref<128x64xf32, #tpu.memory_space<vmem>>, vector<1x16xf32>,
      %get3A_201 = arith.index_cast %add3A_191 : i32 to index
      %get3A_202 = arith.constant 0 : index
      %get3A_203 = tpu.vector_load %arg12[%get3A_201, %get3A_202] {strides = array<i32>} : memref<128x128xf32, #tpu.memory_space<vmem>>, vector<1x16xf32>,
      %get3A_204 = vector.shape_cast %get3A_203 : vector<1x16xf32> to vector<16xf32>
      %swap3A_205 = arith.index_cast %add3A_191 : i32 to index
      %swap3A_206 = arith.constant 32 : index
      %swap3A_207 = tpu.vector_load %arg14[%swap3A_205, %swap3A_206] {strides = array<i32>} : memref<128x64xf32, #tpu.memory_space<vmem>>, vector<1x16xf32>,
      %swap3A_208 = vector.shape_cast %swap3A_207 : vector<1x16xf32> to vector<16xf32>
      %swap3A_209 = vector.shape_cast %get3A_204 : vector<16xf32> to vector<1x16xf32>
      tpu.vector_store %arg14[%swap3A_205, %swap3A_206], %swap3A_209 {strides = array<i32>} : memref<128x64xf32, #tpu.memory_space<vmem>>, vector<1x16xf32>,
      %get3A_210 = arith.index_cast %add3A_191 : i32 to index
      %get3A_211 = arith.constant 16 : index
      %get3A_212 = tpu.vector_load %arg10[%get3A_210, %get3A_211] {strides = array<i32>} : memref<128x128xf32, #tpu.memory_space<vmem>>, vector<1x16xf32>,
      %get3A_213 = vector.shape_cast %get3A_212 : vector<1x16xf32> to vector<16xf32>
      %swap3A_214 = arith.index_cast %add3A_191 : i32 to index
      %swap3A_215 = arith.constant 16 : index
      %swap3A_216 = tpu.vector_load %arg14[%swap3A_214, %swap3A_215] {strides = array<i32>} : memref<128x64xf32, #tpu.memory_space<vmem>>, vector<1x16xf32>,
      %swap3A_217 = vector.shape_cast %swap3A_216 : vector<1x16xf32> to vector<16xf32>
      %swap3A_218 = vector.shape_cast %get3A_213 : vector<16xf32> to vector<1x16xf32>
      tpu.vector_store %arg14[%swap3A_214, %swap3A_215], %swap3A_218 {strides = array<i32>} : memref<128x64xf32, #tpu.memory_space<vmem>>, vector<1x16xf32>,
      %get3A_219 = arith.index_cast %add3A_191 : i32 to index
      %get3A_220 = arith.constant 16 : index
      %get3A_221 = tpu.vector_load %arg12[%get3A_219, %get3A_220] {strides = array<i32>} : memref<128x128xf32, #tpu.memory_space<vmem>>, vector<1x16xf32>,
      %get3A_222 = vector.shape_cast %get3A_221 : vector<1x16xf32> to vector<16xf32>
      %swap3A_223 = arith.index_cast %add3A_191 : i32 to index
      %swap3A_224 = arith.constant 48 : index
      %swap3A_225 = tpu.vector_load %arg14[%swap3A_223, %swap3A_224] {strides = array<i32>} : memref<128x64xf32, #tpu.memory_space<vmem>>, vector<1x16xf32>,
      %swap3A_226 = vector.shape_cast %swap3A_225 : vector<1x16xf32> to vector<16xf32>
      %swap3A_227 = vector.shape_cast %get3A_222 : vector<16xf32> to vector<1x16xf32>
      tpu.vector_store %arg14[%swap3A_223, %swap3A_224], %swap3A_227 {strides = array<i32>} : memref<128x64xf32, #tpu.memory_space<vmem>>, vector<1x16xf32>,
      %mul3A_228 = arith.constant 4 : i32
      %mul3A_229 = arith.muli %scan3A_148, %mul3A_228 : i32
      %add3A_230 = arith.constant 2 : i32
      %add3A_231 = arith.addi %mul3A_229, %add3A_230 : i32
      %get3A_232 = arith.index_cast %add3A_231 : i32 to index
      %get3A_233 = arith.constant 0 : index
      %get3A_234 = tpu.vector_load %arg10[%get3A_232, %get3A_233] {strides = array<i32>} : memref<128x128xf32, #tpu.memory_space<vmem>>, vector<1x16xf32>,
      %get3A_235 = vector.shape_cast %get3A_234 : vector<1x16xf32> to vector<16xf32>
      %swap3A_236 = arith.index_cast %add3A_231 : i32 to index
      %swap3A_237 = arith.constant 0 : index
      %swap3A_238 = tpu.vector_load %arg14[%swap3A_236, %swap3A_237] {strides = array<i32>} : memref<128x64xf32, #tpu.memory_space<vmem>>, vector<1x16xf32>,
      %swap3A_239 = vector.shape_cast %swap3A_238 : vector<1x16xf32> to vector<16xf32>
      %swap3A_240 = vector.shape_cast %get3A_235 : vector<16xf32> to vector<1x16xf32>
      tpu.vector_store %arg14[%swap3A_236, %swap3A_237], %swap3A_240 {strides = array<i32>} : memref<128x64xf32, #tpu.memory_space<vmem>>, vector<1x16xf32>,
      %get3A_241 = arith.index_cast %add3A_231 : i32 to index
      %get3A_242 = arith.constant 0 : index
      %get3A_243 = tpu.vector_load %arg12[%get3A_241, %get3A_242] {strides = array<i32>} : memref<128x128xf32, #tpu.memory_space<vmem>>, vector<1x16xf32>,
      %get3A_244 = vector.shape_cast %get3A_243 : vector<1x16xf32> to vector<16xf32>
      %swap3A_245 = arith.index_cast %add3A_231 : i32 to index
      %swap3A_246 = arith.constant 32 : index
      %swap3A_247 = tpu.vector_load %arg14[%swap3A_245, %swap3A_246] {strides = array<i32>} : memref<128x64xf32, #tpu.memory_space<vmem>>, vector<1x16xf32>,
      %swap3A_248 = vector.shape_cast %swap3A_247 : vector<1x16xf32> to vector<16xf32>
      %swap3A_249 = vector.shape_cast %get3A_244 : vector<16xf32> to vector<1x16xf32>
      tpu.vector_store %arg14[%swap3A_245, %swap3A_246], %swap3A_249 {strides = array<i32>} : memref<128x64xf32, #tpu.memory_space<vmem>>, vector<1x16xf32>,
      %get3A_250 = arith.index_cast %add3A_231 : i32 to index
      %get3A_251 = arith.constant 16 : index
      %get3A_252 = tpu.vector_load %arg10[%get3A_250, %get3A_251] {strides = array<i32>} : memref<128x128xf32, #tpu.memory_space<vmem>>, vector<1x16xf32>,
      %get3A_253 = vector.shape_cast %get3A_252 : vector<1x16xf32> to vector<16xf32>
      %swap3A_254 = arith.index_cast %add3A_231 : i32 to index
      %swap3A_255 = arith.constant 16 : index
      %swap3A_256 = tpu.vector_load %arg14[%swap3A_254, %swap3A_255] {strides = array<i32>} : memref<128x64xf32, #tpu.memory_space<vmem>>, vector<1x16xf32>,
      %swap3A_257 = vector.shape_cast %swap3A_256 : vector<1x16xf32> to vector<16xf32>
      %swap3A_258 = vector.shape_cast %get3A_253 : vector<16xf32> to vector<1x16xf32>
      tpu.vector_store %arg14[%swap3A_254, %swap3A_255], %swap3A_258 {strides = array<i32>} : memref<128x64xf32, #tpu.memory_space<vmem>>, vector<1x16xf32>,
      %get3A_259 = arith.index_cast %add3A_231 : i32 to index
      %get3A_260 = arith.constant 16 : index
      %get3A_261 = tpu.vector_load %arg12[%get3A_259, %get3A_260] {strides = array<i32>} : memref<128x128xf32, #tpu.memory_space<vmem>>, vector<1x16xf32>,
      %get3A_262 = vector.shape_cast %get3A_261 : vector<1x16xf32> to vector<16xf32>
      %swap3A_263 = arith.index_cast %add3A_231 : i32 to index
      %swap3A_264 = arith.constant 48 : index
      %swap3A_265 = tpu.vector_load %arg14[%swap3A_263, %swap3A_264] {strides = array<i32>} : memref<128x64xf32, #tpu.memory_space<vmem>>, vector<1x16xf32>,
      %swap3A_266 = vector.shape_cast %swap3A_265 : vector<1x16xf32> to vector<16xf32>
      %swap3A_267 = vector.shape_cast %get3A_262 : vector<16xf32> to vector<1x16xf32>
      tpu.vector_store %arg14[%swap3A_263, %swap3A_264], %swap3A_267 {strides = array<i32>} : memref<128x64xf32, #tpu.memory_space<vmem>>, vector<1x16xf32>,
      %mul3A_268 = arith.constant 4 : i32
      %mul3A_269 = arith.muli %scan3A_148, %mul3A_268 : i32
      %add3A_270 = arith.constant 3 : i32
      %add3A_271 = arith.addi %mul3A_269, %add3A_270 : i32
      %get3A_272 = arith.index_cast %add3A_271 : i32 to index
      %get3A_273 = arith.constant 0 : index
      %get3A_274 = tpu.vector_load %arg10[%get3A_272, %get3A_273] {strides = array<i32>} : memref<128x128xf32, #tpu.memory_space<vmem>>, vector<1x16xf32>,
      %get3A_275 = vector.shape_cast %get3A_274 : vector<1x16xf32> to vector<16xf32>
      %swap3A_276 = arith.index_cast %add3A_271 : i32 to index
      %swap3A_277 = arith.constant 0 : index
      %swap3A_278 = tpu.vector_load %arg14[%swap3A_276, %swap3A_277] {strides = array<i32>} : memref<128x64xf32, #tpu.memory_space<vmem>>, vector<1x16xf32>,
      %swap3A_279 = vector.shape_cast %swap3A_278 : vector<1x16xf32> to vector<16xf32>
      %swap3A_280 = vector.shape_cast %get3A_275 : vector<16xf32> to vector<1x16xf32>
      tpu.vector_store %arg14[%swap3A_276, %swap3A_277], %swap3A_280 {strides = array<i32>} : memref<128x64xf32, #tpu.memory_space<vmem>>, vector<1x16xf32>,
      %get3A_281 = arith.index_cast %add3A_271 : i32 to index
      %get3A_282 = arith.constant 0 : index
      %get3A_283 = tpu.vector_load %arg12[%get3A_281, %get3A_282] {strides = array<i32>} : memref<128x128xf32, #tpu.memory_space<vmem>>, vector<1x16xf32>,
      %get3A_284 = vector.shape_cast %get3A_283 : vector<1x16xf32> to vector<16xf32>
      %swap3A_285 = arith.index_cast %add3A_271 : i32 to index
      %swap3A_286 = arith.constant 32 : index
      %swap3A_287 = tpu.vector_load %arg14[%swap3A_285, %swap3A_286] {strides = array<i32>} : memref<128x64xf32, #tpu.memory_space<vmem>>, vector<1x16xf32>,
      %swap3A_288 = vector.shape_cast %swap3A_287 : vector<1x16xf32> to vector<16xf32>
      %swap3A_289 = vector.shape_cast %get3A_284 : vector<16xf32> to vector<1x16xf32>
      tpu.vector_store %arg14[%swap3A_285, %swap3A_286], %swap3A_289 {strides = array<i32>} : memref<128x64xf32, #tpu.memory_space<vmem>>, vector<1x16xf32>,
      %get3A_290 = arith.index_cast %add3A_271 : i32 to index
      %get3A_291 = arith.constant 16 : index
      %get3A_292 = tpu.vector_load %arg10[%get3A_290, %get3A_291] {strides = array<i32>} : memref<128x128xf32, #tpu.memory_space<vmem>>, vector<1x16xf32>,
      %get3A_293 = vector.shape_cast %get3A_292 : vector<1x16xf32> to vector<16xf32>
      %swap3A_294 = arith.index_cast %add3A_271 : i32 to index
      %swap3A_295 = arith.constant 16 : index
      %swap3A_296 = tpu.vector_load %arg14[%swap3A_294, %swap3A_295] {strides = array<i32>} : memref<128x64xf32, #tpu.memory_space<vmem>>, vector<1x16xf32>,
      %swap3A_297 = vector.shape_cast %swap3A_296 : vector<1x16xf32> to vector<16xf32>
      %swap3A_298 = vector.shape_cast %get3A_293 : vector<16xf32> to vector<1x16xf32>
      tpu.vector_store %arg14[%swap3A_294, %swap3A_295], %swap3A_298 {strides = array<i32>} : memref<128x64xf32, #tpu.memory_space<vmem>>, vector<1x16xf32>,
      %get3A_299 = arith.index_cast %add3A_271 : i32 to index
      %get3A_300 = arith.constant 16 : index
      %get3A_301 = tpu.vector_load %arg12[%get3A_299, %get3A_300] {strides = array<i32>} : memref<128x128xf32, #tpu.memory_space<vmem>>, vector<1x16xf32>,
      %get3A_302 = vector.shape_cast %get3A_301 : vector<1x16xf32> to vector<16xf32>
      %swap3A_303 = arith.index_cast %add3A_271 : i32 to index
      %swap3A_304 = arith.constant 48 : index
      %swap3A_305 = tpu.vector_load %arg14[%swap3A_303, %swap3A_304] {strides = array<i32>} : memref<128x64xf32, #tpu.memory_space<vmem>>, vector<1x16xf32>,
      %swap3A_306 = vector.shape_cast %swap3A_305 : vector<1x16xf32> to vector<16xf32>
      %swap3A_307 = vector.shape_cast %get3A_302 : vector<16xf32> to vector<1x16xf32>
      tpu.vector_store %arg14[%swap3A_303, %swap3A_304], %swap3A_307 {strides = array<i32>} : memref<128x64xf32, #tpu.memory_space<vmem>>, vector<1x16xf32>,
      %scan3A_308 = arith.constant 0 : i32
      scf.yield %scan3A_308 : i32
    }
    %scan3A_133 = arith.constant 32 : i32
    %dma_wait3A_134 = arith.constant 0 : i32
    %dma_wait3A_135 = tpu.memref_slice %arg6[%add3A_112, %dma_wait3A_134] : memref<16384x64xf32, #tpu.memory_space<hbm>> -> memref<128x64xf32, #tpu.memory_space<hbm>>
    %dma_wait3A_136 = arith.constant 0 : i32
    %dma_wait3A_137 = tpu.memref_slice %arg6[%add3A_112, %dma_wait3A_136] : memref<16384x64xf32, #tpu.memory_space<hbm>> -> memref<128x64xf32, #tpu.memory_space<hbm>>
    tpu.wait_dma2 semaphore(%arg16 : memref<!tpu.dma_semaphore, #tpu.memory_space<semaphore_mem>>) src(%arg13 : memref<128x64xf32, #tpu.memory_space<vmem>>) dst(%dma_wait3A_137 : memref<128x64xf32, #tpu.memory_space<hbm>>)
    %add3A_138 = arith.constant 384 : i32
    %add3A_139 = arith.addi %mul3A_2, %add3A_138 : i32
    %dma_start3A_140 = arith.constant 0 : i32
    %dma_start3A_141 = tpu.memref_slice %arg6[%add3A_139, %dma_start3A_140] : memref<16384x64xf32, #tpu.memory_space<hbm>> -> memref<128x64xf32, #tpu.memory_space<hbm>>
    %dma_start3A_142 = arith.constant 0 : i32
    %dma_start3A_143 = tpu.memref_slice %arg6[%add3A_139, %dma_start3A_142] : memref<16384x64xf32, #tpu.memory_space<hbm>> -> memref<128x64xf32, #tpu.memory_space<hbm>>
    tpu.enqueue_dma source(%arg14 : memref<128x64xf32, #tpu.memory_space<vmem>>) target(%dma_start3A_143 : memref<128x64xf32, #tpu.memory_space<hbm>>) target_semaphore(%arg16 : memref<!tpu.dma_semaphore, #tpu.memory_space<semaphore_mem>>)
    %dma_wait3A_144 = arith.constant 0 : i32
    %dma_wait3A_145 = tpu.memref_slice %arg6[%add3A_139, %dma_wait3A_144] : memref<16384x64xf32, #tpu.memory_space<hbm>> -> memref<128x64xf32, #tpu.memory_space<hbm>>
    %dma_wait3A_146 = arith.constant 0 : i32
    %dma_wait3A_147 = tpu.memref_slice %arg6[%add3A_139, %dma_wait3A_146] : memref<16384x64xf32, #tpu.memory_space<hbm>> -> memref<128x64xf32, #tpu.memory_space<hbm>>
    tpu.wait_dma2 semaphore(%arg16 : memref<!tpu.dma_semaphore, #tpu.memory_space<semaphore_mem>>) src(%arg14 : memref<128x64xf32, #tpu.memory_space<vmem>>) dst(%dma_wait3A_147 : memref<128x64xf32, #tpu.memory_space<hbm>>)
    return
  }
}

</mosaic_0001>

<sc_bundles>
// kernel: kernel.3.cloned.1.call-start
scs
__scs_entry_jumppad:
0x0: {  	(pc) =	sbr.rel $0x88, $3  }
0x1: {  	(tag) =	ssettag $0x0;
	lr =	simm.s32 $0x1  }
0x2: {  	[smem:$0x3F9D] =	sst lr;
	_ =	strace $0xD0000000  }
0x3: {  	_ = 	snop  }
0x4: {  	_ = 	snop  }
0x5: {  	_ = 	snop  }
0x6: {  	_ = 	snop  }
0x7: {  	_ = 	snop  }
__scs_overlays_trampoline_lowered:
0x8: {  	[smem:$0x3FAC] =	sst s0  }
0x9: {  	[smem:$0x3FAD] =	sst s1  }
0xa: {  	[smem:$0x3FAE] =	sst s2  }
0xb: {  	[smem:$0x3FAF] =	sst s3  }
0xc: {  	[smem:$0x3FB0] =	sst s4  }
0xd: {  	[smem:$0x3FB1] =	sst s5  }
0xe: {  	[smem:$0x3FB2] =	sst s6  }
0xf: {  	[smem:$0x3FB3] =	sst s7  }
0x10: {  	[smem:$0x3FB4] =	sst s8  }
0x11: {  	[smem:$0x3FB5] =	sst s9;
	s0 =	simm.s32 @!p0 $0x0  }
0x12: {  	s1 =	sld [smem:$0x3F9B];
	s0 =	simm.s32 @p0 $0x1  }
0x13: {  	[smem:$0x3FB6] =	sst s0;
	s0 =	simm.s32 @!p1 $0x0  }
0x14: {  	s2 =	sld [smem:$0x3F9A];
	s0 =	simm.s32 @p1 $0x1  }
0x15: {  	[smem:$0x3FB7] =	sst s0;
	s0 =	simm.s32 @!p2 $0x0  }
0x16: {  	s3 =	sld [smem:$0x3FDB];
	s0 =	simm.s32 @p2 $0x1  }
0x17: {  	s4 =	simm.s32 $0x1BF5;
	[smem:$0x3FB9] =	sst s0  }
0x18: {  	s0 =	sld [smem:$0x3F9C];
	_ =	swait.ge [sflag:s4], $0x0  }
0x19: {  	s7 =	sld [smem:$0x3F9D]  }
0x1a: {  	s8 =	sadd.s32 $0xFFFFE003, lr  }
0x1b: {  	s9 =	sadd.s32 $0xFFFFFEF7, lr;
	s5 =	simm.s32 $0xFFFFFFFF;
	p2 =	slt.u32 s8, $0xFFFFF086  }
0x1c: {  	p1 =	slt.u32 s9, $0xF7A;
	s5 =	simm.s32 @!p2 $0x0  }
0x1d: {  	s5 =	simm.s32 @p1 $0x1;
	p0 =	seq.s32 s7, s2  }
0x1e: {  	s7 =	smul.u32 @!p0 $0xF7A, s2;
	p2 =	seq.s32 @!p0 s5, $0x0  }
0x1f: {  	s9 =	smul.u32 $0xF7A, s1;
	s8 =	simm.s32 @!p0 $0x1BF5;
	p2 =	por !p2, p0  }
0x20: {  	[sflag:s8] =	ssyncset.s32 @!p0 $0xFFFFF086;
	s6 =	sadd.s32 @!p0 s3, s7;
	s7 =	simm.s32 @!p0 $0x108  }
0x21: {  	s3 =	sadd.s32 s3, s9;
	s6 =	sadd.s32 @!p0 $0x88, s6;
	s7 =	simm.s32 @p2 $0x1082  }
0x22: {  	[simem:s7], [sflag:s8] =	dma.local @!p0 [hbm:s6], $0xF7A  }
0x23: {  	s9 =	sor.u32 $0xD0000000, s2;
	s6 =	simm.s32 $0x108;
	_ =	swait.ge @!p0 [sflag:s8], $0x0  }
0x24: {  	s3 =	sadd.s32 $0x88, s3;
	s6 =	simm.s32 @!p1 $0x1082;
	[sflag:s4] =	ssyncset.s32 $0xFFFFF086  }
0x25: {  	[simem:s6], [sflag:s4] =	dma.local [hbm:s3], $0xF7A  }
0x26: {  	[smem:$0x3F9D] =	sst s1;
	(tag) =	ssettag s2;
	_ =	strace s9  }
0x27: {  	s1 =	sld [smem:$0x3FAD]  }
0x28: {  	s2 =	sld [smem:$0x3FAE]  }
0x29: {  	s4 =	sld [smem:$0x3FB0]  }
0x2a: {  	p0 =	seq.s32 s5, $0x0;
	s5 =	sld [smem:$0x3FB1]  }
0x2b: {  	s6 =	sld [smem:$0x3FB2]  }
0x2c: {  	s7 =	sld [smem:$0x3FB3]  }
0x2d: {  	s3 =	simm.s32 $0x108;
	s8 =	sld [smem:$0x3FB4]  }
0x2e: {  	s3 =	simm.s32 @!p0 $0x1082;
	s9 =	sld [smem:$0x3FB5]  }
0x2f: {  	lr =	sadd.s32 s0, s3;
	s0 =	sld [smem:$0x3FAC]  }
0x30: {  	s3 =	sld [smem:$0x3FAF]  }
0x31: {  	[smem:$0x3FB8] =	sst s10  }
0x32: {  	s10 =	sld [smem:$0x3FB6];
	_ =	sdelay $0x3  }
0x33: {  	p0 =	seq.s32 s10, $0x1;
	s10 =	sld [smem:$0x3FB8];
	_ =	sdelay $0x3  }
0x34: {  	[smem:$0x3FB8] =	sst s10  }
0x35: {  	s10 =	sld [smem:$0x3FB7];
	_ =	sdelay $0x3  }
0x36: {  	p1 =	seq.s32 s10, $0x1;
	s10 =	sld [smem:$0x3FB8];
	_ =	sdelay $0x3  }
0x37: {  	[smem:$0x3FB8] =	sst s10  }
0x38: {  	s10 =	sld [smem:$0x3FB9]  }
0x39: {  	_ = 	snop;
	(pc) =	sbr.ind lr, $3  }
0x3a: {  	_ = 	snop  }
0x3b: {  	_ = 	snop  }
0x3c: {  	p2 =	seq.s32 s10, $0x1;
	s10 =	sld [smem:$0x3FB8]  }
0x3d: {  	_ =	shalt  }
0x3e: {  	_ =	shalt  }
0x3f: {  	_ =	shalt  }
0x40: {  	_ =	shalt  }
0x41: {  	_ =	shalt  }
0x42: {  	_ =	shalt  }
0x43: {  	_ =	shalt  }
0x44: {  	_ =	shalt  }
0x45: {  	_ =	shalt  }
0x46: {  	_ =	shalt  }
0x47: {  	_ =	shalt  }
0x48: {  	_ =	shalt  }
0x49: {  	_ =	shalt  }
0x4a: {  	_ =	shalt  }
0x4b: {  	_ =	shalt  }
0x4c: {  	_ =	shalt  }
0x4d: {  	_ =	shalt  }
0x4e: {  	_ =	shalt  }
0x4f: {  	_ =	shalt  }
0x50: {  	_ =	shalt  }
0x51: {  	_ =	shalt  }
0x52: {  	_ =	shalt  }
0x53: {  	_ =	shalt  }
0x54: {  	_ =	shalt  }
0x55: {  	_ =	shalt  }
0x56: {  	_ =	shalt  }
0x57: {  	_ =	shalt  }
0x58: {  	_ =	shalt  }
0x59: {  	_ =	shalt  }
0x5a: {  	_ =	shalt  }
0x5b: {  	_ =	shalt  }
0x5c: {  	_ =	shalt  }
0x5d: {  	_ =	shalt  }
0x5e: {  	_ =	shalt  }
0x5f: {  	_ =	shalt  }
0x60: {  	_ =	shalt  }
0x61: {  	_ =	shalt  }
0x62: {  	_ =	shalt  }
0x63: {  	_ =	shalt  }
0x64: {  	_ =	shalt  }
0x65: {  	_ =	shalt  }
0x66: {  	_ =	shalt  }
0x67: {  	_ =	shalt  }
0x68: {  	_ =	shalt  }
0x69: {  	_ =	shalt  }
0x6a: {  	_ =	shalt  }
0x6b: {  	_ =	shalt  }
0x6c: {  	_ =	shalt  }
0x6d: {  	_ =	shalt  }
0x6e: {  	_ =	shalt  }
0x6f: {  	_ =	shalt  }
0x70: {  	_ =	shalt  }
0x71: {  	_ =	shalt  }
0x72: {  	_ =	shalt  }
0x73: {  	_ =	shalt  }
0x74: {  	_ =	shalt  }
0x75: {  	_ =	shalt  }
0x76: {  	_ =	shalt  }
0x77: {  	_ =	shalt  }
0x78: {  	_ =	shalt  }
0x79: {  	_ =	shalt  }
0x7a: {  	_ =	shalt  }
0x7b: {  	_ =	shalt  }
0x7c: {  	_ =	shalt  }
0x7d: {  	_ =	shalt  }
0x7e: {  	_ =	shalt  }
0x7f: {  	_ =	shalt  }
0x80: {  	_ =	shalt  }
0x81: {  	_ =	shalt  }
0x82: {  	_ =	shalt  }
0x83: {  	_ =	shalt  }
0x84: {  	_ =	shalt  }
0x85: {  	_ =	shalt  }
0x86: {  	_ =	shalt  }
0x87: {  	_ =	shalt  }
.Lfunc_end0:
.L_simem_size_0:
called_computation_lowered:
.L_overlay_start_0:
0x88: {  	s2 =	sld [smem:$0x3FD9]  }
0x89: {  	s3 =	sld [smem:$0x3FFE];
	_ =	sdelay $0x1  }
0x8a: {  	s1 =	srdreg.scid  }
0x8b: {  	s0 =	sand.u32 $0x1, s1  }
0x8c: {  	s17 =	sshll.u32 s0, $0xA;
	s2 =	sadd.s32 s3, s2  }
0x8d: {  	s2 =	sadd.s32 s2, s17  }
0x8e: {  	[smem:$0x3FC4] =	sst s2  }
0x8f: {  	_ = 	snop  }
0x90: {  	s2 =	sld [smem:$0x3FC9]  }
0x91: {  	s18 =	sld [smem:$0x3FC8];
	(tm) =	ssettm $0x1  }
0x92: {  	s4 =	sld [smem:$0x3FFB];
	_ =	sdelay $0x3  }
0x93: {  	_ =	strace s4  }
0x94: {  	s4 =	sld [smem:$0x3FFC];
	_ =	sdelay $0x3  }
0x95: {  	_ =	strace s4  }
0x96: {  	s4 =	sld [smem:$0x3FFD];
	_ =	sdelay $0x3  }
0x97: {  	_ =	strace s4  }
0x98: {  	_ =	strace $0x8FFFFFFF  }
0x99: {  	s19 =	sld [smem:$0x3FDB];
	_ =	sdelay $0x1  }
0x9a: {  	s5 =	simm.s32 $_scs_section_size  }
0x9b: {  	s6 =	simm.s32 $_size__tile_overlayer_lowered;
	s7 =	simm.s32 $_tile_overlayer_lowered  }
0x9c: {  	s22 =	simm.s32 $0x1BFF;
	s21 =	sshll.u32 s7, $0x1;
	s4 =	sadd.s32 s5, s19  }
0x9d: {  	s8 =	simm.s32 $0x0;
	s20 =	sshll.u32 s6, $0x1;
	s6 =	sadd.s32 s21, s4  }
0x9e: {  	[timem:s8], [sflag:s22] =	dma.local [hbm:s6], s20  }
0x9f: {  	_ =	swait.ge [sflag:s22], s20  }
0xa0: {  	s5 =	ssub.s32 $0x0, s20;
	[sflag:s22] =	ssyncset.done $0x0  }
0xa1: {  	[sflag:s22] =	ssyncadd.s32 s5;
	_ =	sdelay $0x1  }
0xa2: {  	s23 =	simm.s32 $0x1B8B  }
0xa3: {  	_ =	swait.ge [sflag:s23], $0x1  }
0xa4: {  	[sflag:s23] =	ssyncset.done $0x0  }
0xa5: {  	s25 =	simm.s32 $0x1B8E;
	s24 =	sld [smem:$0x3FFE];
	[sflag:s23] =	ssyncadd.s32 $0xFFFFFFFF  }
0xa6: {  	s26 =	simm.s32 $execute0_lowered;
	[smem:$0x3FD2] =	sst s25  }
0xa7: {  	s6 =	sshll.u32 s26, $0x1;
	_ =	strace $0x80000046;
	[dreg:$0x1] =	wrdreg $0xFFFFFFFF  }
0xa8: {  	s28 =	simm.s32 $_size_execute0_lowered;
	s4 =	sadd.s32 s4, s6;
	[dreg:$0x0] =	wrdreg $0x0  }
0xa9: {  	s6 =	sshll.u32 s28, $0x1;
	[dreg:$0x2] =	wrdreg s4  }
0xaa: {  	[dreg:$0x3] =	wrdreg s6  }
0xab: {  	[dreg:$0x4] =	wrdreg $0xC0  }
0xac: {  	_ =	task [dreg:s8], $0x5FFFF  }
0xad: {  	[dreg:$0x1] =	wrdreg $0xFFFFFFFF  }
0xae: {  	[dreg:$0x0] =	wrdreg $0x60  }
0xaf: {  	[dreg:$0x2] =	wrdreg s2  }
0xb0: {  	[dreg:$0x3] =	wrdreg s18  }
0xb1: {  	[dreg:$0x4] =	wrdreg s24  }
0xb2: {  	[dreg:$0x5] =	wrdreg $0x9  }
0xb3: {  	_ =	task.clear_ibuf [dreg:s8], $0x6FFFF;
	_ =	strace $0x90000046  }
0xb4: {  	s29 =	simm.s32 $0x9;
	_ =	strace $0x80000048  }
0xb5: {  	_ =	swait.ge [sflag:s29], $0x1  }
0xb6: {  	[sflag:s29] =	ssyncadd.s32 $0xFFFFFFFF  }
0xb7: {  	_ =	strace $0x90000048  }
0xb8: {  	_ =	sfence  }
0xb9: {  	s30 =	sld [smem:$0x0];
	_ =	sdelay $0x2  }
0xba: {  	s31 =	sshll.u32 s1, $0xD;
	s1 =	sshrl.u32 s1, $0x2  }
0xbb: {  	s3 =	sand.u32 $0x4000, s31;
	s1 =	sadd.s32 s1, s30  }
0xbc: {  	s0 =	sor.u32 s3, s0;
	s1 =	sshll.u32 s1, $0x11  }
0xbd: {  	s0 =	sor.u32 s1, s0  }
0xbe: {  	s0 =	sadd.s32 $0x8F2B, s0  }
0xbf: {  	[sflag:s0] =	ssyncadd.remote.s32 $0x1  }
0xc0: {  	_ =	sfence.sel $0xFFFF  }
0xc1: {  	[dreg:$0x0] =	wrdreg $0xFFFFFFFF;
	(pc) =	sbr.abs _section_cstart, $3  }
0xc2: {  	[dreg:$0x1] =	wrdreg $0xFFFFFFFF  }
0xc3: {  	_ =	task.clear_ibuf [dreg:s8], $0x2FFFF;
	_ =	strace $0x9FFFFFFF  }
0xc4: {  	(tm) =	ssettm $0x7FFFFFFF  }
0xc5: {  	_ =	shalt  }
tec
execute0_lowered:
.L_overlay_start_1:
0x0: {  	(tag) =	ssettag $0x1  }
0x1: {  	s0 =	rddreg [dreg:$0x0]  }
0x2: {  	s6 =	rddreg [dreg:$0x1]  }
0x3: {  	s5 =	rddreg [dreg:$0x2];
	s2 =	simm.s32 $0x0;
	s3 =	srdreg.scid  }
0x4: {  	s1 =	stileid.u32;
	s13 =	simm.s32 $0x200;
	s14 =	simm.s32 $0x80  }
0x5: {  	s15 =	simm.s32 $0x400;
	s16 =	simm.s32 $0x8400;
	s17 =	simm.s32 $0x1  }
0x6: {  	s18 =	simm.s32 $0x4400;
	s19 =	simm.s32 $0x280;
	s20 =	simm.s32 $0xC400  }
0x7: {  	s21 =	simm.s32 $0x10400;
	s22 =	simm.s32 $0x100;
	s23 =	simm.s32 $0x300  }
0x8: {  	s24 =	simm.s32 $0x2;
	s25 =	simm.s32 $0x14400;
	s26 =	simm.s32 $0x180  }
0x9: {  	s28 =	simm.s32 $0x380;
	s29 =	simm.s32 $0x0;
	[smem:$0x7FF] =	sst s2  }
0xa: {  	s4 =	sand.u32 $0x1, s3;
	s7 =	sshll.u32 s1, $0xA;
	s3 =	sadd.s32 $0x30EC00, s5  }
0xb: {  	_ =	strace $0x80000047;
	s8 =	sshll.u32 s4, $0x9;
	s31 =	ssub.s32 $0x2, s4  }
0xc: {  	s4 =	sadd.s32 $0x1400, s5;
	s7 =	sor.u32 s8, s7;
	s10 =	sshrl.u32 s31, $0x1  }
0xd: {  	s9 =	sshll.u32 s7, $0x4;
	s12 =	ssub.s32 s31, s10;
	s7 =	sshrl.u32 s7, $0x3  }
0xe: {  	s11 =	sadd.s32 s9, s5;
	s5 =	sadd.s32 s0, s7;
	s6 =	sadd.s32 s6, s7  }
0xf: {  	s7 =	sadd.s32 $0x188800, s11;
	s8 =	sadd.s32 $0x188000, s11;
	s9 =	sadd.s32 $0x189000, s11  }
0x10: {  	s10 =	sadd.s32 $0x189800, s11;
	s11 =	smax.u32 s12, $0x1;
	s12 =	simm.s32 $0x3  }
.LBB2_1:
0x11: {  	[tilespmem:s2], [sflag:$0x3] =	stream.linear.gather [hbm4b:s5+s2], $0x200, $0x38;
	[tilespmem:$0x18400] =	vst v63  }
0x12: {  	_ =	swait.ge [sflag:s12], $0x200  }
0x13: {  	[sflag:s12] =	ssyncset.done $0x0  }
0x14: {  	[sflag:s12] =	ssyncadd.s32 $0xFFFFFE00  }
0x15: {  	[tilespmem:s13], [sflag:$0x3] =	stream.linear.gather [hbm4b:s6+s2], $0x200, $0x38;
	[tilespmem:$0x18400] =	vst v63  }
0x16: {  	_ =	swait.ge [sflag:s12], $0x200  }
0x17: {  	[sflag:s12] =	ssyncset.done $0x0  }
0x18: {  	[sflag:s12] =	ssyncadd.s32 $0xFFFFFE00  }
0x19: {  	[tilespmem:s15], [sflag:$0x1] =	stream.indirect.gather [hbm4b:s3+s14], $0x80, s2, s14, $0xb8;
	[tilespmem:$0x18400] =	vst v63  }
0x1a: {  	_ = 	snop  }
0x1b: {  	[tilespmem:s16], [sflag:$0x1] =	stream.indirect.gather [hbm4b:s4+s14], $0x80, s13, s14, $0xb8;
	[tilespmem:$0x18400] =	vst v63  }
0x1c: {  	_ =	swait.ge [sflag:s17], $0x4000  }
0x1d: {  	[sflag:s17] =	ssyncset.done $0x0  }
0x1e: {  	[sflag:s17] =	ssyncadd.s32 $0xFFFFC000  }
0x1f: {  	_ =	swait.ge [sflag:s17], $0x4000  }
0x20: {  	[sflag:s17] =	ssyncset.done $0x0  }
0x21: {  	[sflag:s17] =	ssyncadd.s32 $0xFFFFC000  }
0x22: {  	[tilespmem:s18], [sflag:$0x1] =	stream.indirect.gather [hbm4b:s3+s14], $0x80, s14, s14, $0xb8;
	[tilespmem:$0x18400] =	vst v63  }
0x23: {  	s30 =	simm.s32 $0x0  }
0x24: {  	[tilespmem:s20], [sflag:$0x1] =	stream.indirect.gather [hbm4b:s4+s14], $0x80, s19, s14, $0xb8;
	[tilespmem:$0x18400] =	vst v63  }
0x25: {  	v0 =	vld [tilespmem:s30+$0x8590]  }
0x26: {  	v1 =	vld [tilespmem:s30+$0x400]  }
0x27: {  	v2 =	vld [tilespmem:s30+$0x8400]  }
0x28: {  	v3 =	vld [tilespmem:s30+$0x410]  }
0x29: {  	v4 =	vld [tilespmem:s30+$0x8410]  }
0x2a: {  	v5 =	vld [tilespmem:s30+$0x480];
	[tilespmem:s30+$0x105B0] =	vst v0  }
0x2b: {  	[tilespmem:s30+$0x10400] =	vst v1;
	v0 =	vld [tilespmem:s30+$0x8480]  }
0x2c: {  	[tilespmem:s30+$0x10420] =	vst v2;
	v1 =	vld [tilespmem:s30+$0x490]  }
0x2d: {  	[tilespmem:s30+$0x10410] =	vst v3;
	v2 =	vld [tilespmem:s30+$0x8490]  }
0x2e: {  	[tilespmem:s30+$0x10430] =	vst v4;
	v3 =	vld [tilespmem:s30+$0x500]  }
0x2f: {  	[tilespmem:s30+$0x10480] =	vst v5;
	v4 =	vld [tilespmem:s30+$0x8500]  }
0x30: {  	[tilespmem:s30+$0x104A0] =	vst v0;
	v0 =	vld [tilespmem:s30+$0x510]  }
0x31: {  	[tilespmem:s30+$0x10490] =	vst v1;
	v1 =	vld [tilespmem:s30+$0x8510]  }
0x32: {  	[tilespmem:s30+$0x104B0] =	vst v2;
	v2 =	vld [tilespmem:s30+$0x580]  }
0x33: {  	[tilespmem:s30+$0x10500] =	vst v3;
	v3 =	vld [tilespmem:s30+$0x8580]  }
0x34: {  	s31 =	simm.s32 $0x200;
	s0 =	simm.s32 $0x1000;
	[tilespmem:s30+$0x10520] =	vst v4;
	v4 =	vld [tilespmem:s30+$0x590]  }
.LBB2_2:
0x35: {  	p0 =	sne.s32 s0, $0xF800;
	v5 =	vld [tilespmem:s31+$0x8590];
	[tilespmem:s30+$0x10510] =	vst v0  }
0x36: {  	v0 =	vld [tilespmem:s31+$0x400];
	[tilespmem:s30+$0x10530] =	vst v1  }
0x37: {  	v1 =	vld [tilespmem:s31+$0x8400];
	[tilespmem:s30+$0x10580] =	vst v2  }
0x38: {  	v2 =	vld [tilespmem:s31+$0x410];
	[tilespmem:s30+$0x105A0] =	vst v3  }
0x39: {  	v3 =	vld [tilespmem:s31+$0x8410];
	[tilespmem:s30+$0x10590] =	vst v4;
	s30 =	smov.u32 s31  }
0x3a: {  	v4 =	vld [tilespmem:s30+$0x480];
	[tilespmem:s30+$0x105B0] =	vst v5  }
0x3b: {  	[tilespmem:s30+$0x10400] =	vst v0;
	v0 =	vld [tilespmem:s30+$0x8480]  }
0x3c: {  	[tilespmem:s30+$0x10420] =	vst v1;
	v1 =	vld [tilespmem:s30+$0x490]  }
0x3d: {  	[tilespmem:s30+$0x10410] =	vst v2;
	v2 =	vld [tilespmem:s30+$0x8490]  }
0x3e: {  	[tilespmem:s30+$0x10430] =	vst v3;
	v3 =	vld [tilespmem:s30+$0x500]  }
0x3f: {  	[tilespmem:s30+$0x10480] =	vst v4;
	v4 =	vld [tilespmem:s30+$0x8500]  }
.Ltmp0:
0x40: {  	[tilespmem:s30+$0x104A0] =	vst v0;
	v0 =	vld [tilespmem:s30+$0x510];
	(pc) =	sbr.rel @p0 .LBB2_2-.Ltmp0, $4  }
0x41: {  	[tilespmem:s30+$0x10490] =	vst v1;
	v1 =	vld [tilespmem:s30+$0x8510]  }
0x42: {  	[tilespmem:s30+$0x104B0] =	vst v2;
	v2 =	vld [tilespmem:s30+$0x580]  }
0x43: {  	[tilespmem:s30+$0x10500] =	vst v3;
	v3 =	vld [tilespmem:s30+$0x8580]  }
0x44: {  	s31 =	sshra.s32 s0, $0x2;
	s0 =	sadd.s32 $0x800, s0;
	[tilespmem:s30+$0x10520] =	vst v4;
	v4 =	vld [tilespmem:s30+$0x590]  }
0x45: {  	v5 =	vld [tilespmem:s31+$0x8590];
	[tilespmem:s30+$0x10510] =	vst v0  }
0x46: {  	v0 =	vld [tilespmem:s31+$0x400];
	[tilespmem:s30+$0x10530] =	vst v1  }
0x47: {  	v1 =	vld [tilespmem:s31+$0x8400];
	[tilespmem:s30+$0x10580] =	vst v2  }
0x48: {  	v2 =	vld [tilespmem:s31+$0x410];
	[tilespmem:s30+$0x105A0] =	vst v3  }
0x49: {  	v3 =	vld [tilespmem:s31+$0x8410];
	[tilespmem:s30+$0x10590] =	vst v4  }
0x4a: {  	v4 =	vld [tilespmem:s31+$0x480];
	[tilespmem:s31+$0x105B0] =	vst v5  }
0x4b: {  	[tilespmem:s31+$0x10400] =	vst v0;
	v0 =	vld [tilespmem:s31+$0x8480]  }
0x4c: {  	[tilespmem:s31+$0x10420] =	vst v1;
	v1 =	vld [tilespmem:s31+$0x490]  }
0x4d: {  	[tilespmem:s31+$0x10410] =	vst v2;
	v2 =	vld [tilespmem:s31+$0x8490]  }
0x4e: {  	[tilespmem:s31+$0x10430] =	vst v3;
	v3 =	vld [tilespmem:s31+$0x500]  }
0x4f: {  	[tilespmem:s31+$0x10480] =	vst v4;
	v4 =	vld [tilespmem:s31+$0x8500]  }
0x50: {  	[tilespmem:s31+$0x104A0] =	vst v0;
	v0 =	vld [tilespmem:s31+$0x510]  }
0x51: {  	[tilespmem:s31+$0x10490] =	vst v1;
	v1 =	vld [tilespmem:s31+$0x8510]  }
0x52: {  	[tilespmem:s31+$0x104B0] =	vst v2;
	v2 =	vld [tilespmem:s31+$0x580]  }
0x53: {  	[tilespmem:s31+$0x10500] =	vst v3;
	v3 =	vld [tilespmem:s31+$0x8580]  }
0x54: {  	[tilespmem:s31+$0x10520] =	vst v4;
	v4 =	vld [tilespmem:s31+$0x590]  }
0x55: {  	[tilespmem:s31+$0x10510] =	vst v0  }
0x56: {  	[tilespmem:s31+$0x10530] =	vst v1  }
0x57: {  	[tilespmem:s31+$0x10580] =	vst v2  }
0x58: {  	[tilespmem:s31+$0x105A0] =	vst v3  }
0x59: {  	s0 =	simm.s32 $0x0;
	[tilespmem:s31+$0x10590] =	vst v4  }
0x5a: {  	[hbm4b:s8+s0] =	stream.linear.scatter [tilespmem:s21], [sflag:$0x2], $0x4000, $0x38;
	[tilespmem:$0x18400] =	vst v63  }
0x5b: {  	_ =	swait.ge [sflag:s17], $0x4000  }
0x5c: {  	[sflag:s17] =	ssyncset.done $0x0  }
0x5d: {  	[sflag:s17] =	ssyncadd.s32 $0xFFFFC000  }
0x5e: {  	_ =	swait.ge [sflag:s17], $0x4000  }
0x5f: {  	[sflag:s17] =	ssyncset.done $0x0  }
0x60: {  	[sflag:s17] =	ssyncadd.s32 $0xFFFFC000  }
0x61: {  	[tilespmem:s15], [sflag:$0x1] =	stream.indirect.gather [hbm4b:s3+s14], $0x80, s22, s14, $0xb8;
	[tilespmem:$0x18400] =	vst v63  }
0x62: {  	s30 =	simm.s32 $0x0  }
0x63: {  	[tilespmem:s16], [sflag:$0x1] =	stream.indirect.gather [hbm4b:s4+s14], $0x80, s23, s14, $0xb8;
	[tilespmem:$0x18400] =	vst v63  }
0x64: {  	v0 =	vld [tilespmem:s30+$0xC590]  }
0x65: {  	v1 =	vld [tilespmem:s30+$0x4400]  }
0x66: {  	v2 =	vld [tilespmem:s30+$0xC400]  }
0x67: {  	v3 =	vld [tilespmem:s30+$0x4410]  }
0x68: {  	v4 =	vld [tilespmem:s30+$0xC410]  }
0x69: {  	v5 =	vld [tilespmem:s30+$0x4480];
	[tilespmem:s30+$0x145B0] =	vst v0  }
0x6a: {  	[tilespmem:s30+$0x14400] =	vst v1;
	v0 =	vld [tilespmem:s30+$0xC480]  }
0x6b: {  	[tilespmem:s30+$0x14420] =	vst v2;
	v1 =	vld [tilespmem:s30+$0x4490]  }
0x6c: {  	[tilespmem:s30+$0x14410] =	vst v3;
	v2 =	vld [tilespmem:s30+$0xC490]  }
0x6d: {  	[tilespmem:s30+$0x14430] =	vst v4;
	v3 =	vld [tilespmem:s30+$0x4500]  }
0x6e: {  	[tilespmem:s30+$0x14480] =	vst v5;
	v4 =	vld [tilespmem:s30+$0xC500]  }
0x6f: {  	[tilespmem:s30+$0x144A0] =	vst v0;
	v0 =	vld [tilespmem:s30+$0x4510]  }
0x70: {  	[tilespmem:s30+$0x14490] =	vst v1;
	v1 =	vld [tilespmem:s30+$0xC510]  }
0x71: {  	[tilespmem:s30+$0x144B0] =	vst v2;
	v2 =	vld [tilespmem:s30+$0x4580]  }
0x72: {  	[tilespmem:s30+$0x14500] =	vst v3;
	v3 =	vld [tilespmem:s30+$0xC580]  }
0x73: {  	s31 =	simm.s32 $0x200;
	s0 =	simm.s32 $0x1000;
	[tilespmem:s30+$0x14520] =	vst v4;
	v4 =	vld [tilespmem:s30+$0x4590]  }
.LBB2_4:
0x74: {  	p0 =	sne.s32 s0, $0xF800;
	v5 =	vld [tilespmem:s31+$0xC590];
	[tilespmem:s30+$0x14510] =	vst v0  }
0x75: {  	v0 =	vld [tilespmem:s31+$0x4400];
	[tilespmem:s30+$0x14530] =	vst v1  }
0x76: {  	v1 =	vld [tilespmem:s31+$0xC400];
	[tilespmem:s30+$0x14580] =	vst v2  }
0x77: {  	v2 =	vld [tilespmem:s31+$0x4410];
	[tilespmem:s30+$0x145A0] =	vst v3  }
0x78: {  	v3 =	vld [tilespmem:s31+$0xC410];
	[tilespmem:s30+$0x14590] =	vst v4;
	s30 =	smov.u32 s31  }
0x79: {  	v4 =	vld [tilespmem:s30+$0x4480];
	[tilespmem:s30+$0x145B0] =	vst v5  }
0x7a: {  	[tilespmem:s30+$0x14400] =	vst v0;
	v0 =	vld [tilespmem:s30+$0xC480]  }
0x7b: {  	[tilespmem:s30+$0x14420] =	vst v1;
	v1 =	vld [tilespmem:s30+$0x4490]  }
0x7c: {  	[tilespmem:s30+$0x14410] =	vst v2;
	v2 =	vld [tilespmem:s30+$0xC490]  }
0x7d: {  	[tilespmem:s30+$0x14430] =	vst v3;
	v3 =	vld [tilespmem:s30+$0x4500]  }
0x7e: {  	[tilespmem:s30+$0x14480] =	vst v4;
	v4 =	vld [tilespmem:s30+$0xC500]  }
.Ltmp1:
0x7f: {  	[tilespmem:s30+$0x144A0] =	vst v0;
	v0 =	vld [tilespmem:s30+$0x4510];
	(pc) =	sbr.rel @p0 .LBB2_4-.Ltmp1, $4  }
0x80: {  	[tilespmem:s30+$0x14490] =	vst v1;
	v1 =	vld [tilespmem:s30+$0xC510]  }
0x81: {  	[tilespmem:s30+$0x144B0] =	vst v2;
	v2 =	vld [tilespmem:s30+$0x4580]  }
0x82: {  	[tilespmem:s30+$0x14500] =	vst v3;
	v3 =	vld [tilespmem:s30+$0xC580]  }
0x83: {  	s31 =	sshra.s32 s0, $0x2;
	s0 =	sadd.s32 $0x800, s0;
	[tilespmem:s30+$0x14520] =	vst v4;
	v4 =	vld [tilespmem:s30+$0x4590]  }
0x84: {  	v5 =	vld [tilespmem:s31+$0xC590];
	[tilespmem:s30+$0x14510] =	vst v0  }
0x85: {  	v0 =	vld [tilespmem:s31+$0x4400];
	[tilespmem:s30+$0x14530] =	vst v1  }
0x86: {  	v1 =	vld [tilespmem:s31+$0xC400];
	[tilespmem:s30+$0x14580] =	vst v2  }
0x87: {  	v2 =	vld [tilespmem:s31+$0x4410];
	[tilespmem:s30+$0x145A0] =	vst v3  }
0x88: {  	v3 =	vld [tilespmem:s31+$0xC410];
	[tilespmem:s30+$0x14590] =	vst v4  }
0x89: {  	v4 =	vld [tilespmem:s31+$0x4480];
	[tilespmem:s31+$0x145B0] =	vst v5  }
0x8a: {  	[tilespmem:s31+$0x14400] =	vst v0;
	v0 =	vld [tilespmem:s31+$0xC480]  }
0x8b: {  	[tilespmem:s31+$0x14420] =	vst v1;
	v1 =	vld [tilespmem:s31+$0x4490]  }
0x8c: {  	[tilespmem:s31+$0x14410] =	vst v2;
	v2 =	vld [tilespmem:s31+$0xC490]  }
0x8d: {  	[tilespmem:s31+$0x14430] =	vst v3;
	v3 =	vld [tilespmem:s31+$0x4500]  }
0x8e: {  	[tilespmem:s31+$0x14480] =	vst v4;
	v4 =	vld [tilespmem:s31+$0xC500]  }
0x8f: {  	[tilespmem:s31+$0x144A0] =	vst v0;
	v0 =	vld [tilespmem:s31+$0x4510]  }
0x90: {  	[tilespmem:s31+$0x14490] =	vst v1;
	v1 =	vld [tilespmem:s31+$0xC510]  }
0x91: {  	[tilespmem:s31+$0x144B0] =	vst v2;
	v2 =	vld [tilespmem:s31+$0x4580]  }
0x92: {  	[tilespmem:s31+$0x14500] =	vst v3;
	v3 =	vld [tilespmem:s31+$0xC580]  }
0x93: {  	[tilespmem:s31+$0x14520] =	vst v4;
	v4 =	vld [tilespmem:s31+$0x4590]  }
0x94: {  	[tilespmem:s31+$0x14510] =	vst v0  }
0x95: {  	[tilespmem:s31+$0x14530] =	vst v1  }
0x96: {  	[tilespmem:s31+$0x14580] =	vst v2  }
0x97: {  	[tilespmem:s31+$0x145A0] =	vst v3  }
0x98: {  	[tilespmem:s31+$0x14590] =	vst v4  }
0x99: {  	_ =	swait.ge [sflag:s24], $0x4000  }
0x9a: {  	[sflag:s24] =	ssyncset.done $0x0  }
0x9b: {  	s0 =	simm.s32 $0x0;
	[sflag:s24] =	ssyncadd.s32 $0xFFFFC000  }
0x9c: {  	[hbm4b:s7+s0] =	stream.linear.scatter [tilespmem:s25], [sflag:$0x2], $0x4000, $0x38;
	[tilespmem:$0x18400] =	vst v63  }
0x9d: {  	_ =	swait.ge [sflag:s17], $0x4000  }
0x9e: {  	[sflag:s17] =	ssyncset.done $0x0  }
0x9f: {  	[sflag:s17] =	ssyncadd.s32 $0xFFFFC000  }
0xa0: {  	_ =	swait.ge [sflag:s17], $0x4000  }
0xa1: {  	[sflag:s17] =	ssyncset.done $0x0  }
0xa2: {  	[sflag:s17] =	ssyncadd.s32 $0xFFFFC000  }
0xa3: {  	[tilespmem:s18], [sflag:$0x1] =	stream.indirect.gather [hbm4b:s3+s14], $0x80, s26, s14, $0xb8;
	[tilespmem:$0x18400] =	vst v63  }
0xa4: {  	s30 =	simm.s32 $0x0  }
0xa5: {  	[tilespmem:s20], [sflag:$0x1] =	stream.indirect.gather [hbm4b:s4+s14], $0x80, s28, s14, $0xb8;
	[tilespmem:$0x18400] =	vst v63  }
0xa6: {  	v0 =	vld [tilespmem:s30+$0x8590]  }
0xa7: {  	v1 =	vld [tilespmem:s30+$0x400]  }
0xa8: {  	v2 =	vld [tilespmem:s30+$0x8400]  }
0xa9: {  	v3 =	vld [tilespmem:s30+$0x410]  }
0xaa: {  	v4 =	vld [tilespmem:s30+$0x8410]  }
0xab: {  	v5 =	vld [tilespmem:s30+$0x480];
	[tilespmem:s30+$0x105B0] =	vst v0  }
0xac: {  	[tilespmem:s30+$0x10400] =	vst v1;
	v0 =	vld [tilespmem:s30+$0x8480]  }
0xad: {  	[tilespmem:s30+$0x10420] =	vst v2;
	v1 =	vld [tilespmem:s30+$0x490]  }
0xae: {  	[tilespmem:s30+$0x10410] =	vst v3;
	v2 =	vld [tilespmem:s30+$0x8490]  }
0xaf: {  	[tilespmem:s30+$0x10430] =	vst v4;
	v3 =	vld [tilespmem:s30+$0x500]  }
0xb0: {  	[tilespmem:s30+$0x10480] =	vst v5;
	v4 =	vld [tilespmem:s30+$0x8500]  }
0xb1: {  	[tilespmem:s30+$0x104A0] =	vst v0;
	v0 =	vld [tilespmem:s30+$0x510]  }
0xb2: {  	[tilespmem:s30+$0x10490] =	vst v1;
	v1 =	vld [tilespmem:s30+$0x8510]  }
0xb3: {  	[tilespmem:s30+$0x104B0] =	vst v2;
	v2 =	vld [tilespmem:s30+$0x580]  }
0xb4: {  	[tilespmem:s30+$0x10500] =	vst v3;
	v3 =	vld [tilespmem:s30+$0x8580]  }
0xb5: {  	s31 =	simm.s32 $0x200;
	s0 =	simm.s32 $0x1000;
	[tilespmem:s30+$0x10520] =	vst v4;
	v4 =	vld [tilespmem:s30+$0x590]  }
.LBB2_6:
0xb6: {  	p0 =	sne.s32 s0, $0xF800;
	v5 =	vld [tilespmem:s31+$0x8590];
	[tilespmem:s30+$0x10510] =	vst v0  }
0xb7: {  	v0 =	vld [tilespmem:s31+$0x400];
	[tilespmem:s30+$0x10530] =	vst v1  }
0xb8: {  	v1 =	vld [tilespmem:s31+$0x8400];
	[tilespmem:s30+$0x10580] =	vst v2  }
0xb9: {  	v2 =	vld [tilespmem:s31+$0x410];
	[tilespmem:s30+$0x105A0] =	vst v3  }
0xba: {  	v3 =	vld [tilespmem:s31+$0x8410];
	[tilespmem:s30+$0x10590] =	vst v4;
	s30 =	smov.u32 s31  }
0xbb: {  	v4 =	vld [tilespmem:s30+$0x480];
	[tilespmem:s30+$0x105B0] =	vst v5  }
0xbc: {  	[tilespmem:s30+$0x10400] =	vst v0;
	v0 =	vld [tilespmem:s30+$0x8480]  }
0xbd: {  	[tilespmem:s30+$0x10420] =	vst v1;
	v1 =	vld [tilespmem:s30+$0x490]  }
0xbe: {  	[tilespmem:s30+$0x10410] =	vst v2;
	v2 =	vld [tilespmem:s30+$0x8490]  }
0xbf: {  	[tilespmem:s30+$0x10430] =	vst v3;
	v3 =	vld [tilespmem:s30+$0x500]  }
0xc0: {  	[tilespmem:s30+$0x10480] =	vst v4;
	v4 =	vld [tilespmem:s30+$0x8500]  }
.Ltmp2:
0xc1: {  	[tilespmem:s30+$0x104A0] =	vst v0;
	v0 =	vld [tilespmem:s30+$0x510];
	(pc) =	sbr.rel @p0 .LBB2_6-.Ltmp2, $4  }
0xc2: {  	[tilespmem:s30+$0x10490] =	vst v1;
	v1 =	vld [tilespmem:s30+$0x8510]  }
0xc3: {  	[tilespmem:s30+$0x104B0] =	vst v2;
	v2 =	vld [tilespmem:s30+$0x580]  }
0xc4: {  	[tilespmem:s30+$0x10500] =	vst v3;
	v3 =	vld [tilespmem:s30+$0x8580]  }
0xc5: {  	s31 =	sshra.s32 s0, $0x2;
	s0 =	sadd.s32 $0x800, s0;
	[tilespmem:s30+$0x10520] =	vst v4;
	v4 =	vld [tilespmem:s30+$0x590]  }
0xc6: {  	v5 =	vld [tilespmem:s31+$0x8590];
	[tilespmem:s30+$0x10510] =	vst v0  }
0xc7: {  	v0 =	vld [tilespmem:s31+$0x400];
	[tilespmem:s30+$0x10530] =	vst v1  }
0xc8: {  	v1 =	vld [tilespmem:s31+$0x8400];
	[tilespmem:s30+$0x10580] =	vst v2  }
0xc9: {  	v2 =	vld [tilespmem:s31+$0x410];
	[tilespmem:s30+$0x105A0] =	vst v3  }
0xca: {  	v3 =	vld [tilespmem:s31+$0x8410];
	[tilespmem:s30+$0x10590] =	vst v4  }
0xcb: {  	v4 =	vld [tilespmem:s31+$0x480];
	[tilespmem:s31+$0x105B0] =	vst v5  }
0xcc: {  	[tilespmem:s31+$0x10400] =	vst v0;
	v0 =	vld [tilespmem:s31+$0x8480]  }
0xcd: {  	[tilespmem:s31+$0x10420] =	vst v1;
	v1 =	vld [tilespmem:s31+$0x490]  }
0xce: {  	[tilespmem:s31+$0x10410] =	vst v2;
	v2 =	vld [tilespmem:s31+$0x8490]  }
0xcf: {  	[tilespmem:s31+$0x10430] =	vst v3;
	v3 =	vld [tilespmem:s31+$0x500]  }
0xd0: {  	[tilespmem:s31+$0x10480] =	vst v4;
	v4 =	vld [tilespmem:s31+$0x8500]  }
0xd1: {  	[tilespmem:s31+$0x104A0] =	vst v0;
	v0 =	vld [tilespmem:s31+$0x510]  }
0xd2: {  	[tilespmem:s31+$0x10490] =	vst v1;
	v1 =	vld [tilespmem:s31+$0x8510]  }
0xd3: {  	[tilespmem:s31+$0x104B0] =	vst v2;
	v2 =	vld [tilespmem:s31+$0x580]  }
0xd4: {  	[tilespmem:s31+$0x10500] =	vst v3;
	v3 =	vld [tilespmem:s31+$0x8580]  }
0xd5: {  	[tilespmem:s31+$0x10520] =	vst v4;
	v4 =	vld [tilespmem:s31+$0x590]  }
0xd6: {  	[tilespmem:s31+$0x10510] =	vst v0  }
0xd7: {  	[tilespmem:s31+$0x10530] =	vst v1  }
0xd8: {  	[tilespmem:s31+$0x10580] =	vst v2  }
0xd9: {  	[tilespmem:s31+$0x105A0] =	vst v3  }
0xda: {  	[tilespmem:s31+$0x10590] =	vst v4  }
0xdb: {  	_ =	swait.ge [sflag:s24], $0x4000  }
0xdc: {  	[sflag:s24] =	ssyncset.done $0x0  }
0xdd: {  	s0 =	simm.s32 $0x0;
	[sflag:s24] =	ssyncadd.s32 $0xFFFFC000  }
0xde: {  	[hbm4b:s9+s0] =	stream.linear.scatter [tilespmem:s21], [sflag:$0x2], $0x4000, $0x38;
	[tilespmem:$0x18400] =	vst v63  }
0xdf: {  	_ =	swait.ge [sflag:s17], $0x4000  }
0xe0: {  	[sflag:s17] =	ssyncset.done $0x0  }
0xe1: {  	[sflag:s17] =	ssyncadd.s32 $0xFFFFC000  }
0xe2: {  	_ =	swait.ge [sflag:s17], $0x4000  }
0xe3: {  	[sflag:s17] =	ssyncset.done $0x0  }
0xe4: {  	s30 =	simm.s32 $0x0;
	[sflag:s17] =	ssyncadd.s32 $0xFFFFC000  }
0xe5: {  	v0 =	vld [tilespmem:s30+$0xC590]  }
0xe6: {  	v1 =	vld [tilespmem:s30+$0x4400]  }
0xe7: {  	v2 =	vld [tilespmem:s30+$0xC400]  }
0xe8: {  	v3 =	vld [tilespmem:s30+$0x4410]  }
0xe9: {  	v4 =	vld [tilespmem:s30+$0xC410]  }
0xea: {  	v5 =	vld [tilespmem:s30+$0x4480];
	[tilespmem:s30+$0x145B0] =	vst v0  }
0xeb: {  	[tilespmem:s30+$0x14400] =	vst v1;
	v0 =	vld [tilespmem:s30+$0xC480]  }
0xec: {  	[tilespmem:s30+$0x14420] =	vst v2;
	v1 =	vld [tilespmem:s30+$0x4490]  }
0xed: {  	[tilespmem:s30+$0x14410] =	vst v3;
	v2 =	vld [tilespmem:s30+$0xC490]  }
0xee: {  	[tilespmem:s30+$0x14430] =	vst v4;
	v3 =	vld [tilespmem:s30+$0x4500]  }
0xef: {  	[tilespmem:s30+$0x14480] =	vst v5;
	v4 =	vld [tilespmem:s30+$0xC500]  }
0xf0: {  	[tilespmem:s30+$0x144A0] =	vst v0;
	v0 =	vld [tilespmem:s30+$0x4510]  }
0xf1: {  	[tilespmem:s30+$0x14490] =	vst v1;
	v1 =	vld [tilespmem:s30+$0xC510]  }
0xf2: {  	[tilespmem:s30+$0x144B0] =	vst v2;
	v2 =	vld [tilespmem:s30+$0x4580]  }
0xf3: {  	[tilespmem:s30+$0x14500] =	vst v3;
	v3 =	vld [tilespmem:s30+$0xC580]  }
0xf4: {  	s31 =	simm.s32 $0x200;
	s0 =	simm.s32 $0x1000;
	[tilespmem:s30+$0x14520] =	vst v4;
	v4 =	vld [tilespmem:s30+$0x4590]  }
.LBB2_8:
0xf5: {  	p0 =	sne.s32 s0, $0xF800;
	v5 =	vld [tilespmem:s31+$0xC590];
	[tilespmem:s30+$0x14510] =	vst v0  }
0xf6: {  	v0 =	vld [tilespmem:s31+$0x4400];
	[tilespmem:s30+$0x14530] =	vst v1  }
0xf7: {  	v1 =	vld [tilespmem:s31+$0xC400];
	[tilespmem:s30+$0x14580] =	vst v2  }
0xf8: {  	v2 =	vld [tilespmem:s31+$0x4410];
	[tilespmem:s30+$0x145A0] =	vst v3  }
0xf9: {  	v3 =	vld [tilespmem:s31+$0xC410];
	[tilespmem:s30+$0x14590] =	vst v4;
	s30 =	smov.u32 s31  }
0xfa: {  	v4 =	vld [tilespmem:s30+$0x4480];
	[tilespmem:s30+$0x145B0] =	vst v5  }
0xfb: {  	[tilespmem:s30+$0x14400] =	vst v0;
	v0 =	vld [tilespmem:s30+$0xC480]  }
0xfc: {  	[tilespmem:s30+$0x14420] =	vst v1;
	v1 =	vld [tilespmem:s30+$0x4490]  }
0xfd: {  	[tilespmem:s30+$0x14410] =	vst v2;
	v2 =	vld [tilespmem:s30+$0xC490]  }
0xfe: {  	[tilespmem:s30+$0x14430] =	vst v3;
	v3 =	vld [tilespmem:s30+$0x4500]  }
0xff: {  	[tilespmem:s30+$0x14480] =	vst v4;
	v4 =	vld [tilespmem:s30+$0xC500]  }
.Ltmp3:
0x100: {  	[tilespmem:s30+$0x144A0] =	vst v0;
	v0 =	vld [tilespmem:s30+$0x4510];
	(pc) =	sbr.rel @p0 .LBB2_8-.Ltmp3, $4  }
0x101: {  	[tilespmem:s30+$0x14490] =	vst v1;
	v1 =	vld [tilespmem:s30+$0xC510]  }
0x102: {  	[tilespmem:s30+$0x144B0] =	vst v2;
	v2 =	vld [tilespmem:s30+$0x4580]  }
0x103: {  	[tilespmem:s30+$0x14500] =	vst v3;
	v3 =	vld [tilespmem:s30+$0xC580]  }
0x104: {  	s31 =	sshra.s32 s0, $0x2;
	s0 =	sadd.s32 $0x800, s0;
	[tilespmem:s30+$0x14520] =	vst v4;
	v4 =	vld [tilespmem:s30+$0x4590]  }
0x105: {  	v5 =	vld [tilespmem:s31+$0xC590];
	[tilespmem:s30+$0x14510] =	vst v0  }
0x106: {  	v0 =	vld [tilespmem:s31+$0x4400];
	[tilespmem:s30+$0x14530] =	vst v1  }
0x107: {  	v1 =	vld [tilespmem:s31+$0xC400];
	[tilespmem:s30+$0x14580] =	vst v2  }
0x108: {  	v2 =	vld [tilespmem:s31+$0x4410];
	[tilespmem:s30+$0x145A0] =	vst v3  }
0x109: {  	v3 =	vld [tilespmem:s31+$0xC410];
	[tilespmem:s30+$0x14590] =	vst v4  }
0x10a: {  	v4 =	vld [tilespmem:s31+$0x4480];
	[tilespmem:s31+$0x145B0] =	vst v5  }
0x10b: {  	v54 =	vld [tilespmem:s31+$0xC480];
	[tilespmem:s31+$0x14400] =	vst v0  }
0x10c: {  	v55 =	vld [tilespmem:s31+$0x4490];
	[tilespmem:s31+$0x14420] =	vst v1  }
0x10d: {  	v56 =	vld [tilespmem:s31+$0xC490];
	[tilespmem:s31+$0x14410] =	vst v2  }
0x10e: {  	v57 =	vld [tilespmem:s31+$0x4500];
	[tilespmem:s31+$0x14430] =	vst v3  }
0x10f: {  	v58 =	vld [tilespmem:s31+$0xC500];
	[tilespmem:s31+$0x14480] =	vst v4  }
0x110: {  	v59 =	vld [tilespmem:s31+$0x4510];
	[tilespmem:s31+$0x144A0] =	vst v54  }
0x111: {  	v60 =	vld [tilespmem:s31+$0xC510];
	[tilespmem:s31+$0x14490] =	vst v55  }
0x112: {  	v61 =	vld [tilespmem:s31+$0x4580];
	[tilespmem:s31+$0x144B0] =	vst v56  }
0x113: {  	v62 =	vld [tilespmem:s31+$0xC580];
	[tilespmem:s31+$0x14500] =	vst v57  }
0x114: {  	v63 =	vld [tilespmem:s31+$0x4590];
	[tilespmem:s31+$0x14520] =	vst v58  }
0x115: {  	[tilespmem:s31+$0x14510] =	vst v59  }
0x116: {  	[tilespmem:s31+$0x14530] =	vst v60  }
0x117: {  	[tilespmem:s31+$0x14580] =	vst v61  }
0x118: {  	[tilespmem:s31+$0x145A0] =	vst v62  }
0x119: {  	[tilespmem:s31+$0x14590] =	vst v63  }
0x11a: {  	s29 =	sadd.s32 $0x1, s29;
	_ =	swait.ge [sflag:s24], $0x4000  }
0x11b: {  	p0 =	sne.s32 s29, s11;
	[sflag:s24] =	ssyncset.done $0x0  }
.Ltmp4:
0x11c: {  	[sflag:s24] =	ssyncadd.s32 $0xFFFFC000;
	(pc) =	sbr.rel @p0 .LBB2_1-.Ltmp4, $4  }
0x11d: {  	[hbm4b:s10+s2] =	stream.linear.scatter [tilespmem:s25], [sflag:$0x2], $0x4000, $0x38;
	[tilespmem:$0x18400] =	vst v63  }
0x11e: {  	_ =	swait.ge [sflag:s24], $0x4000  }
0x11f: {  	[sflag:s24] =	ssyncset.done $0x0  }
0x120: {  	[sflag:s24] =	ssyncadd.s32 $0xFFFFC000  }
0x121: {  	_ =	sfence.sel $0x180000  }
0x122: {  	[bflag:$0x0] =	sbarrier.arrive $0xFFFF  }
0x123: {  	_ =	strace $0x90000047  }
0x124: {  	[bflag:$0x2] =	sbarrier.arrive $0xFFFF  }
0x125: {  	p0 =	sne.s32 s1, $0x0;
	s0 =	rddreg [dreg:$0x3]  }
0x126: {  	s0 =	sadd.s32 @!p0 $0x100000, s0  }
0x127: {  	[sflag:s0] =	ssyncadd.tile.s32 @!p0 $0x1;
	_ =	shalt  }
.Lfunc_end2:
_tile_overlayer_lowered:
.L_overlay_start_2:
0x128: {  	(tag) =	ssettag $0x2  }
0x129: {  	s0 =	rddreg [dreg:$0x0];
	s2 =	stileid.u32  }
0x12a: {  	s1 =	rddreg [dreg:$0x1];
	p0 =	sne.s32 s2, $0x0  }
0x12b: {  	s3 =	rddreg [dreg:$0x2];
	[bflag:$0x3] =	sbarrier.arrive $0xFFFF;
	s2 =	simm.s32 @!p0 $0x1C03  }
0x12c: {  	[timem:s3], [sflag:s2] =	dma.local @!p0 [hbm:s0], s1  }
0x12d: {  	s0 =	simm.s32 @!p0 $0x3  }
0x12e: {  	_ =	swait.ge @!p0 [sflag:s0], s1  }
0x12f: {  	s1 =	ssub.s32 @!p0 $0x0, s1;
	[sflag:s0] =	ssyncset.done @!p0 $0x0  }
0x130: {  	[sflag:s0] =	ssyncadd.s32 @!p0 s1  }
0x131: {  	[bflag:$0x3] =	sbarrier.arrive $0xFFFF  }
0x132: {  	_ =	shalt  }

</sc_bundles>
